<compile_context>
chip_gen: v7x
topology: tpu7x:2x2x1
jax: 0.10.2.dev20260603
libtpu: 0.0.44.dev20260713+nightly
codegen_flags: <defaults>
</compile_context>

<pallas_src>
import functools

import jax
import jax.numpy as jnp
import numpy as np
from jax import lax
from jax.experimental import pallas as pl
from jax.experimental.pallas import tpu as pltpu
from jax.experimental.pallas import tpu_sc as plsc

_FM = 32
_RATIOS = [[8, 8], [6, 10], [10, 6], [12, 12], [10, 14], [14, 10], [16, 16], [14, 18], [18, 14]]
_TOTAL = 4041
_PAD = 4048
_P2_COLS = 48
_NEG = float(np.float32(-np.inf))

_GROUPS = [(0, 1867, 3), (1867, 3182, 2), (3182, 4041, 1)]


def _build_consts():
    pk1 = np.zeros(_PAD, np.int32)
    pk2 = np.zeros(_PAD, np.int32)
    rec = np.zeros(_PAD, np.float32)
    p = 0
    for h, w in _RATIOS:
        for i in range(_FM - h + 1):
            for j in range(_FM - w + 1):
                ia = (i + h) * _P2_COLS + (j + w - 1)
                d1 = h * _P2_COLS
                d2 = w - (_P2_COLS if j == 0 else 0)
                pk1[p] = ia | (d1 << 11) | ((d2 + _P2_COLS) << 21)
                pk2[p] = i | (j << 8) | ((i + h - 1) << 16) | ((j + w - 1) << 24)
                rec[p] = np.float32(1.0) / np.float32(h * w)
                p += 1
    assert p == _TOTAL
    pk1[p:] = 47 | (_P2_COLS << 21)
    x0 = pk2 & 0xFF
    y0 = (pk2 >> 8) & 0xFF
    x1 = (pk2 >> 16) & 0xFF
    y1 = (pk2 >> 24) & 0xFF
    war = (x1 - x0 + 1) * (y1 - y0 + 1)
    return np.concatenate([pk1, pk2, war, rec.view(np.int32)])


_CONSTS = _build_consts()

_G0_INT, _G1_INT, _G2_INT = (0, 116), (117, 198), (199, 253)


def _sc_body(x_hbm, c_hbm, ws_hbm, pk_hbm,
             xv, rc, p2, sc, ms, pkv, pkbuf, sem_c):
    wid = lax.axis_index("c") * 16 + lax.axis_index("s")
    cc = pltpu.async_copy(c_hbm, pkv, sem_c)
    pltpu.sync_copy(x_hbm.at[pl.ds(wid * 1024, 1024)], xv)

    iota = lax.broadcasted_iota(jnp.int32, (16,), 0)
    zf = jnp.zeros((16,), jnp.float32)
    zi = jnp.zeros((16,), jnp.int32)
    neg = jnp.full((16,), _NEG, jnp.float32)
    big = jnp.full((16,), 2**30, jnp.int32)

    p2[pl.ds(0, 16)] = zf
    p2[pl.ds(16, 16)] = zf
    p2[pl.ds(32, 16)] = zf

    @plsc.parallel_loop(0, _FM, unroll=2)
    def scan_body(i):
        r0 = xv[pl.ds(i * 32, 16)]
        r1 = xv[pl.ds(i * 32 + 16, 16)]
        rc[pl.ds(i * 32, 16)] = plsc.cumsum(r0)
        rc[pl.ds(i * 32 + 16, 16)] = plsc.cumsum(r1) + jnp.sum(r0)

    def row_body(i, c):
        b = i * _P2_COLS
        p2[pl.ds(b + _P2_COLS, 16)] = p2[pl.ds(b, 16)] + rc[pl.ds(i * 32, 16)]
        p2[pl.ds(b + _P2_COLS + 16, 16)] = p2[pl.ds(b + 16, 16)] + rc[pl.ds(i * 32 + 16, 16)]
        p2[pl.ds(b + _P2_COLS + 32, 16)] = zf
        return c
    lax.fori_loop(0, _FM, row_body, 0, unroll=2)

    cc.wait()

    @plsc.parallel_loop(0, _PAD // 16, unroll=4)
    def pool_body(i):
        o = i * 16
        v = pkv[pl.ds(o, 16)]
        ia = v & 0x7FF
        d1 = (v >> 11) & 0x3FF
        d2 = (v >> 21) - _P2_COLS
        ib = ia - d1
        ic = ia - d2
        idd = ic - d1
        pa = plsc.load_gather(p2, [ia])
        pb = plsc.load_gather(p2, [ib])
        pc = plsc.load_gather(p2, [ic])
        pd = plsc.load_gather(p2, [idd])
        s = (pa - pb - pc + pd) * plsc.bitcast(pkv[pl.ds(3 * _PAD + o, 16)], jnp.float32)
        sc[pl.ds(o, 16)] = s
        ms[pl.ds(o, 16)] = jnp.where(iota + o < _TOTAL, s, neg)

    def track(chunk_i, msv, carry):
        mvec, ivec = carry
        gt = msv > mvec
        return (jnp.where(gt, msv, mvec),
                jnp.where(gt, jnp.full((16,), chunk_i, jnp.int32), ivec))

    def amax_interior(lohi, carry):
        def body(i, carry):
            return track(i, ms[pl.ds(i * 16, 16)], carry)
        return lax.fori_loop(lohi[0], lohi[1], body, carry, unroll=2)

    def unpack_geom(v):
        m8 = jnp.full((16,), 0xFF, jnp.int32)
        gx0 = v & m8
        gy0 = (v >> 8) & m8
        gx1 = (v >> 16) & m8
        gy1 = (v >> 24) & m8
        return gx0, gy0, gx1, gy1

    def sweep_chunk(i, carry, cg, gmask):
        o = i * 16
        msv = ms[pl.ds(o, 16)]
        wx0, wy0, wx1, wy1 = unpack_geom(pkv[pl.ds(_PAD + o, 16)])
        cx0, cy0, cx1, cy1 = cg
        zl = jnp.zeros((16,), jnp.int32)
        lx = jnp.maximum(jnp.minimum(wx1, cx1) - jnp.maximum(wx0, cx0) + 1, zl)
        ly = jnp.maximum(jnp.minimum(wy1, cy1) - jnp.maximum(wy0, cy0) + 1, zl)
        inter = lx * ly
        war = pkv[pl.ds(2 * _PAD + o, 16)]
        carea = (cx1 - cx0 + 1) * (cy1 - cy0 + 1)
        keep = inter * 4 <= war + carea - inter
        if gmask is not None:
            keep = keep | ~gmask
        msv = jnp.where(keep, msv, neg)
        ms[pl.ds(o, 16)] = msv
        if gmask is not None:
            msv = jnp.where(gmask, msv, neg)
        return track(i, msv, carry)

    picks_vec = zi
    slot = 0
    bmask = {116: iota < 11, 198: iota < 14}
    for gi, (lo, hi, npicks) in enumerate(_GROUPS):
        interior = (_G0_INT, _G1_INT, _G2_INT)[gi]
        first_b = 116 if gi == 1 else (198 if gi == 2 else None)
        last_b = 116 if gi == 0 else (198 if gi == 1 else None)

        carry = (neg, zi)
        if first_b is not None:
            mv = jnp.where(~bmask[first_b], ms[pl.ds(first_b * 16, 16)], neg)
            carry = track(first_b, mv, carry)
        carry = amax_interior(interior, carry)
        if last_b is not None:
            mv = jnp.where(bmask[last_b], ms[pl.ds(last_b * 16, 16)], neg)
            carry = track(last_b, mv, carry)
        mvec, ivec = carry

        last = jnp.int32(0)
        for t in range(npicks):
            m = jnp.max(mvec)
            cand = jnp.where(mvec == m, ivec * 16 + iota, big)
            pick = jnp.min(cand)
            if t > 0:
                pick = jnp.where(m > _NEG, pick, last)
            last = pick
            splat = jnp.full((16,), pick, jnp.int32)
            spv = plsc.load_gather(sc, [splat])
            picks_vec = jnp.where(iota == slot, splat, picks_vec)
            picks_vec = jnp.where(iota == 6 + slot, plsc.bitcast(spv, jnp.int32), picks_vec)
            slot += 1
            if t < npicks - 1:
                cg = unpack_geom(plsc.load_gather(pkv, [splat + _PAD]))
                carry = (neg, zi)
                if first_b is not None:
                    carry = sweep_chunk(first_b, carry, cg, ~bmask[first_b])

                @plsc.parallel_loop(interior[0], interior[1], unroll=2, carry=carry)
                def carry(i, c, cg=cg):
                    return sweep_chunk(i, c, cg, None)
                if last_b is not None:
                    carry = sweep_chunk(last_b, carry, cg, bmask[last_b])
                mvec, ivec = carry

    pkbuf[...] = picks_vec
    pltpu.sync_copy(sc.at[pl.ds(0, _TOTAL)], ws_hbm.at[wid])
    pltpu.sync_copy(pkbuf, pk_hbm.at[wid])


@jax.jit
def _launch(x):
    mesh = plsc.VectorSubcoreMesh(core_axis_name="c", subcore_axis_name="s")
    f = functools.partial(
        pl.kernel,
        mesh=mesh,
        compiler_params=pltpu.CompilerParams(
            needs_layout_passes=False, use_tc_tiling_on_sc=False),
        out_type=[
            jax.ShapeDtypeStruct((32, _TOTAL), jnp.float32),
            jax.ShapeDtypeStruct((32, 16), jnp.int32),
        ],
        scratch_types=[
            pltpu.VMEM((1024,), jnp.float32),
            pltpu.VMEM((1024,), jnp.float32),
            pltpu.VMEM((33 * _P2_COLS,), jnp.float32),
            pltpu.VMEM((_PAD,), jnp.float32),
            pltpu.VMEM((_PAD,), jnp.float32),
            pltpu.VMEM((4 * _PAD,), jnp.int32),
            pltpu.VMEM((16,), jnp.int32),
            pltpu.SemaphoreType.DMA,
        ],
    )(_sc_body)
    return f(x, jnp.asarray(_CONSTS))


def kernel(x, proposalN):
    ws, pk = _launch(x.reshape(-1))
    indices = (pk[:, :6] + (proposalN - 6)).astype(jnp.int64)
    pscores = jax.lax.bitcast_convert_type(pk[:, 6:12], jnp.float32)
    return (indices, pscores, ws)

# --- scband reference (transcript-rebuilt; emitter-appended) ---
"""Pipeline reference for scband-appm-24111946399794 (READ-ONLY COPY).

The authoritative reference and input builder live on the scoring server;
editing this copy changes nothing except your own understanding.
"""

import jax, jax.numpy as jnp
import numpy as np

STRIDE = 1
FM = 32
RATIOS = [[8, 8], [6, 10], [10, 6], [12, 12], [10, 14], [14, 10], [16, 16], [14, 18], [18, 14]]
N_LIST = [3, 2, 1]
PROPOSALN = 6
IOU_THRESHS = [0.25, 0.25, 0.25]

WINDOW_NUMS = [((FM - h) // STRIDE + 1) * ((FM - w) // STRIDE + 1) for h, w in RATIOS]
WINDOW_NUMS_SUM = [0, sum(WINDOW_NUMS[:3]), sum(WINDOW_NUMS[3:6]), sum(WINDOW_NUMS[6:9])]


def _compute_coordinates():
    coords = []
    for h, w in RATIOS:
        for i in range((FM - h) // STRIDE + 1):
            for j in range((FM - w) // STRIDE + 1):
                coords.append([i * STRIDE, j * STRIDE, i * STRIDE + h - 1, j * STRIDE + w - 1])
    return np.array(coords, dtype=np.float64)

COORDINATES_CAT = _compute_coordinates()


def nms(scores_np, proposalN, iou_threshs, coordinates, IND=None):
    if not (type(scores_np).__module__ == 'numpy' and len(scores_np.shape) == 2 and (scores_np.shape[1] == 1)):
        raise TypeError('score_np is not right')
    windows_num = scores_np.shape[0]
    indices_coordinates = np.concatenate((scores_np, coordinates), 1)
    if IND is not None:
        indices = IND
    else:
        indices = np.argsort(indices_coordinates[:, 0])
    indices_coordinates = np.concatenate((indices_coordinates, np.arange(0, windows_num).reshape(windows_num, 1)), 1)[indices]
    indices_results = []
    res = indices_coordinates
    while res.any():
        indice_coordinates = res[-1]
        indices_results.append(indice_coordinates[5])
        if len(indices_results) == proposalN:
            return np.array(indices_results).reshape(1, proposalN).astype(int)
        res = res[:-1]
        start_max = np.maximum(res[:, 1:3], indice_coordinates[1:3])
        end_min = np.minimum(res[:, 3:5], indice_coordinates[3:5])
        lengths = end_min - start_max + 1
        intersec_map = lengths[:, 0] * lengths[:, 1]
        intersec_map[np.logical_or(lengths[:, 0] < 0, lengths[:, 1] < 0)] = 0
        iou_map_cur = intersec_map / ((res[:, 3] - res[:, 1] + 1) * (res[:, 4] - res[:, 2] + 1) + (indice_coordinates[3] - indice_coordinates[1] + 1) * (indice_coordinates[4] - indice_coordinates[2] + 1) - intersec_map)
        res = res[iou_map_cur <= iou_threshs]
    while len(indices_results) != proposalN:
        indices_results.append(indice_coordinates[5])
    return np.array(indices_results).reshape(1, -1).astype(int)


def _nms_group(scores, coords, n, iou_thresh):
    valid = jnp.ones((scores.shape[0],), dtype=bool)
    picks = []
    last = jnp.zeros((), dtype=jnp.int32)
    for _ in range(n):
        any_valid = jnp.any(valid)
        masked = jnp.where(valid, scores, -jnp.inf)
        cand = jnp.argmax(masked).astype(jnp.int32)
        pick = jnp.where(any_valid, cand, last)
        last = pick
        picks.append(pick)
        c = coords[pick]
        start_max = jnp.maximum(coords[:, 0:2], c[0:2])
        end_min = jnp.minimum(coords[:, 2:4], c[2:4])
        lengths = end_min - start_max + 1.0
        intersec = lengths[:, 0] * lengths[:, 1]
        intersec = jnp.where(jnp.logical_or(lengths[:, 0] < 0, lengths[:, 1] < 0), 0.0, intersec)
        areas = (coords[:, 2] - coords[:, 0] + 1.0) * (coords[:, 3] - coords[:, 1] + 1.0)
        area_c = (c[2] - c[0] + 1.0) * (c[3] - c[1] + 1.0)
        iou = intersec / (areas + area_c - intersec)
        valid = jnp.logical_and(valid, iou <= iou_thresh)
        valid = valid.at[pick].set(False)
    return jnp.stack(picks)


def avg_pool(x, h, w):
    s = jax.lax.reduce_window(x, 0.0, jax.lax.add, (1, 1, h, w), (1, 1, STRIDE, STRIDE), 'VALID')
    return s / float(h * w)


def setup_inputs(seed: int = 0):
    key = jax.random.key(seed)
    x = jax.random.normal(key, (32, 1, FM, FM), dtype=jnp.float32)
    return {"x": x, "proposalN": PROPOSALN}


def reference(x, proposalN):
    batch = x.shape[0]
    avgs = [avg_pool(x, h, w) for h, w in RATIOS]
    all_scores = jnp.concatenate([a.reshape(batch, -1, 1) for a in avgs], axis=1)
    window_scores = all_scores.reshape(batch, -1)

    def _nms_sample(scores):
        s = scores[:, 0]
        parts = []
        for j in range(len(WINDOW_NUMS_SUM) - 1):
            lo = sum(WINDOW_NUMS_SUM[:j + 1])
            hi = sum(WINDOW_NUMS_SUM[:j + 2])
            coords = jnp.asarray(COORDINATES_CAT[lo:hi], dtype=jnp.float32)
            parts.append(_nms_group(s[lo:hi], coords, N_LIST[j], IOU_THRESHS[j]) + lo)
        return jnp.concatenate(parts)

    proposalN_indices = jax.vmap(_nms_sample)(all_scores)
    proposalN_indices = (proposalN_indices + (proposalN - PROPOSALN)).astype(jnp.int64)
    proposalN_windows_scores = jnp.concatenate([jnp.take(all_scores[i], proposalN_indices[i], axis=0) for i in range(batch)], 0).reshape(batch, PROPOSALN)
    return (proposalN_indices, proposalN_windows_scores, window_scores)

if __name__ == "__main__":
    import jax
    _d = setup_inputs()
    print(jax.jit(kernel)(*tuple(_d.values())))

</pallas_src>

<mosaic_0001>
#map = affine_map<(d0, d1) -> (0)>
#map1 = affine_map<(d0, d1) -> (0, 0)>
module attributes {stable_mosaic.version = 14 : i64} {
  func.func @_sc_body(%arg0: i32, %arg1: i32, %arg2: memref<32768xf32, #tpu.memory_space<hbm>>, %arg3: memref<16192xi32, #tpu.memory_space<hbm>>, %arg4: memref<32x4041xf32, #tpu.memory_space<hbm>>, %arg5: memref<32x16xi32, #tpu.memory_space<hbm>>, %arg6: memref<1024xf32, #tpu.memory_space<vmem>>, %arg7: memref<1024xf32, #tpu.memory_space<vmem>>, %arg8: memref<1584xf32, #tpu.memory_space<vmem>>, %arg9: memref<4048xf32, #tpu.memory_space<vmem>>, %arg10: memref<4048xf32, #tpu.memory_space<vmem>>, %arg11: memref<16192xi32, #tpu.memory_space<vmem>>, %arg12: memref<16xi32, #tpu.memory_space<vmem>>, %arg13: memref<!tpu.dma_semaphore, #tpu.memory_space<semaphore_mem>>) attributes {dimension_semantics = [#tpu.dimension_semantics<core_parallel>, #tpu.dimension_semantics<subcore_parallel>], iteration_bounds = array<i64: 2, 16>, scalar_prefetch = 0 : i64, scratch_operands = 8 : i64, tpu.core_type = #tpu.core_type<sc_vector_subcore>, window_params = [{transform_indices = #map}, {transform_indices = #map}, {transform_indices = #map1}, {transform_indices = #map1}]} {
    %mul3A = arith.constant 16 : i32
    %mul3A_0 = arith.muli %arg0, %mul3A : i32
    %add3A = arith.addi %mul3A_0, %arg1 : i32
    tpu.enqueue_dma source(%arg3 : memref<16192xi32, #tpu.memory_space<hbm>>) target(%arg11 : memref<16192xi32, #tpu.memory_space<vmem>>) target_semaphore(%arg13 : memref<!tpu.dma_semaphore, #tpu.memory_space<semaphore_mem>>)
    %mul3A_1 = arith.constant 1024 : i32
    %mul3A_2 = arith.muli %add3A, %mul3A_1 : i32
    "tpu.region"() ({
      %run_scoped3A = tpu.sem_alloc : memref<!tpu.dma_semaphore, #tpu.memory_space<semaphore_mem>>
      %dma_start3A = tpu.memref_slice %arg2[%mul3A_2] : memref<32768xf32, #tpu.memory_space<hbm>> -> memref<1024xf32, #tpu.memory_space<hbm>>
      %dma_start3A_600 = tpu.memref_slice %arg2[%mul3A_2] : memref<32768xf32, #tpu.memory_space<hbm>> -> memref<1024xf32, #tpu.memory_space<hbm>>
      tpu.enqueue_dma source(%dma_start3A_600 : memref<1024xf32, #tpu.memory_space<hbm>>) target(%arg6 : memref<1024xf32, #tpu.memory_space<vmem>>) target_semaphore(%run_scoped3A : memref<!tpu.dma_semaphore, #tpu.memory_space<semaphore_mem>>)
      %dma_wait3A = tpu.memref_slice %arg2[%mul3A_2] : memref<32768xf32, #tpu.memory_space<hbm>> -> memref<1024xf32, #tpu.memory_space<hbm>>
      %dma_wait3A_601 = tpu.memref_slice %arg2[%mul3A_2] : memref<32768xf32, #tpu.memory_space<hbm>> -> memref<1024xf32, #tpu.memory_space<hbm>>
      tpu.wait_dma2 semaphore(%run_scoped3A : memref<!tpu.dma_semaphore, #tpu.memory_space<semaphore_mem>>) src(%dma_wait3A_601 : memref<1024xf32, #tpu.memory_space<hbm>>) dst(%arg6 : memref<1024xf32, #tpu.memory_space<vmem>>)
      tpu.yield
    }) : () -> ()
    %iota3A = tpu.iota {dimensions = array<i32: 0>} : vector<16xi32>
    %broadcast_in_dim3A = arith.constant 0.000000e+00 : f32
    %broadcast_in_dim3A_3 = vector.broadcast %broadcast_in_dim3A : f32 to vector<16xf32>
    %broadcast_in_dim3A_4 = arith.constant 0 : i32
    %broadcast_in_dim3A_5 = vector.broadcast %broadcast_in_dim3A_4 : i32 to vector<16xi32>
    %broadcast_in_dim3A_6 = arith.constant 0xFF800000 : f32
    %broadcast_in_dim3A_7 = vector.broadcast %broadcast_in_dim3A_6 : f32 to vector<16xf32>
    %broadcast_in_dim3A_8 = arith.constant 1073741824 : i32
    %broadcast_in_dim3A_9 = vector.broadcast %broadcast_in_dim3A_8 : i32 to vector<16xi32>
    %swap3A = arith.constant 0 : index
    %swap3A_10 = tpu.vector_load %arg8[%swap3A] {strides = array<i32>} : memref<1584xf32, #tpu.memory_space<vmem>>, vector<16xf32>,
    tpu.vector_store %arg8[%swap3A], %broadcast_in_dim3A_3 {strides = array<i32>} : memref<1584xf32, #tpu.memory_space<vmem>>, vector<16xf32>,
    %swap3A_11 = arith.constant 16 : index
    %swap3A_12 = tpu.vector_load %arg8[%swap3A_11] {strides = array<i32>} : memref<1584xf32, #tpu.memory_space<vmem>>, vector<16xf32>,
    tpu.vector_store %arg8[%swap3A_11], %broadcast_in_dim3A_3 {strides = array<i32>} : memref<1584xf32, #tpu.memory_space<vmem>>, vector<16xf32>,
    %swap3A_13 = arith.constant 32 : index
    %swap3A_14 = tpu.vector_load %arg8[%swap3A_13] {strides = array<i32>} : memref<1584xf32, #tpu.memory_space<vmem>>, vector<16xf32>,
    tpu.vector_store %arg8[%swap3A_13], %broadcast_in_dim3A_3 {strides = array<i32>} : memref<1584xf32, #tpu.memory_space<vmem>>, vector<16xf32>,
    %parallel_loop3A = arith.constant 0 : i32
    %parallel_loop3A_15 = arith.constant 32 : i32
    %parallel_loop3A_16 = arith.constant 1 : i32
    scf.for %parallel_loop3A_600 = %parallel_loop3A to %parallel_loop3A_15 step %parallel_loop3A_16  : i32 {
      %parallel_loop3A_601 = arith.constant 32 : i32
      %parallel_loop3A_602 = arith.muli %parallel_loop3A_600, %parallel_loop3A_601 : i32
      %parallel_loop3A_603 = arith.index_cast %parallel_loop3A_602 : i32 to index
      %parallel_loop3A_604 = tpu.vector_load %arg6[%parallel_loop3A_603] {strides = array<i32>} : memref<1024xf32, #tpu.memory_space<vmem>>, vector<16xf32>,
      %parallel_loop3A_605 = arith.constant 32 : i32
      %parallel_loop3A_606 = arith.muli %parallel_loop3A_600, %parallel_loop3A_605 : i32
      %parallel_loop3A_607 = arith.constant 16 : i32
      %parallel_loop3A_608 = arith.addi %parallel_loop3A_606, %parallel_loop3A_607 : i32
      %parallel_loop3A_609 = arith.index_cast %parallel_loop3A_608 : i32 to index
      %parallel_loop3A_610 = tpu.vector_load %arg6[%parallel_loop3A_609] {strides = array<i32>} : memref<1024xf32, #tpu.memory_space<vmem>>, vector<16xf32>,
      %parallel_loop3A_611 = arith.constant true
      %parallel_loop3A_612 = vector.broadcast %parallel_loop3A_611 : i1 to vector<16xi1>
      %parallel_loop3A_613 = tpu.scan <sum>, %parallel_loop3A_604 masked %parallel_loop3A_612 : vector<16xf32>, vector<16xi1> -> vector<16xf32>
      %parallel_loop3A_614 = arith.constant 32 : i32
      %parallel_loop3A_615 = arith.muli %parallel_loop3A_600, %parallel_loop3A_614 : i32
      %parallel_loop3A_616 = arith.index_cast %parallel_loop3A_615 : i32 to index
      %parallel_loop3A_617 = tpu.vector_load %arg7[%parallel_loop3A_616] {strides = array<i32>} : memref<1024xf32, #tpu.memory_space<vmem>>, vector<16xf32>,
      tpu.vector_store %arg7[%parallel_loop3A_616], %parallel_loop3A_613 {strides = array<i32>} : memref<1024xf32, #tpu.memory_space<vmem>>, vector<16xf32>,
      %parallel_loop3A_618 = arith.constant true
      %parallel_loop3A_619 = vector.broadcast %parallel_loop3A_618 : i1 to vector<16xi1>
      %parallel_loop3A_620 = tpu.scan <sum>, %parallel_loop3A_610 masked %parallel_loop3A_619 : vector<16xf32>, vector<16xi1> -> vector<16xf32>
      %parallel_loop3A_621 = arith.constant true
      %parallel_loop3A_622 = vector.broadcast %parallel_loop3A_621 : i1 to vector<16xi1>
      %parallel_loop3A_623 = tpu.scan <sum>, %parallel_loop3A_604 masked %parallel_loop3A_622 : vector<16xf32>, vector<16xi1> -> vector<16xf32>
      %parallel_loop3A_624 = vector.extract %parallel_loop3A_623[15] : f32 from vector<16xf32>
      %parallel_loop3A_625 = vector.broadcast %parallel_loop3A_624 : f32 to vector<16xf32>
      %parallel_loop3A_626 = arith.addf %parallel_loop3A_620, %parallel_loop3A_625 : vector<16xf32>
      %parallel_loop3A_627 = arith.constant 32 : i32
      %parallel_loop3A_628 = arith.muli %parallel_loop3A_600, %parallel_loop3A_627 : i32
      %parallel_loop3A_629 = arith.constant 16 : i32
      %parallel_loop3A_630 = arith.addi %parallel_loop3A_628, %parallel_loop3A_629 : i32
      %parallel_loop3A_631 = arith.index_cast %parallel_loop3A_630 : i32 to index
      %parallel_loop3A_632 = tpu.vector_load %arg7[%parallel_loop3A_631] {strides = array<i32>} : memref<1024xf32, #tpu.memory_space<vmem>>, vector<16xf32>,
      tpu.vector_store %arg7[%parallel_loop3A_631], %parallel_loop3A_626 {strides = array<i32>} : memref<1024xf32, #tpu.memory_space<vmem>>, vector<16xf32>,
    } {sc.loop_unroll_factor = 2 : i64, sc.parallel_access}
    %scan3A = arith.constant 0 : i32
    %scan3A_17 = arith.constant 0 : i32
    %scan3A_18 = arith.constant 32 : i32
    %scan3A_19 = arith.addi %scan3A_17, %scan3A_18 : i32
    %scan3A_20 = arith.constant 2 : i32
    scf.for %scan3A_600 = %scan3A_17 to %scan3A_19 step %scan3A_20  : i32 {
      %mul3A_601 = arith.constant 48 : i32
      %mul3A_602 = arith.muli %scan3A_600, %mul3A_601 : i32
      %get3A_603 = arith.index_cast %mul3A_602 : i32 to index
      %get3A_604 = tpu.vector_load %arg8[%get3A_603] {strides = array<i32>} : memref<1584xf32, #tpu.memory_space<vmem>>, vector<16xf32>,
      %mul3A_605 = arith.constant 32 : i32
      %mul3A_606 = arith.muli %scan3A_600, %mul3A_605 : i32
      %get3A_607 = arith.index_cast %mul3A_606 : i32 to index
      %get3A_608 = tpu.vector_load %arg7[%get3A_607] {strides = array<i32>} : memref<1024xf32, #tpu.memory_space<vmem>>, vector<16xf32>,
      %add3A_609 = arith.addf %get3A_604, %get3A_608 : vector<16xf32>
      %add3A_610 = arith.constant 48 : i32
      %add3A_611 = arith.addi %mul3A_602, %add3A_610 : i32
      %swap3A_612 = arith.index_cast %add3A_611 : i32 to index
      %swap3A_613 = tpu.vector_load %arg8[%swap3A_612] {strides = array<i32>} : memref<1584xf32, #tpu.memory_space<vmem>>, vector<16xf32>,
      tpu.vector_store %arg8[%swap3A_612], %add3A_609 {strides = array<i32>} : memref<1584xf32, #tpu.memory_space<vmem>>, vector<16xf32>,
      %add3A_614 = arith.constant 16 : i32
      %add3A_615 = arith.addi %mul3A_602, %add3A_614 : i32
      %get3A_616 = arith.index_cast %add3A_615 : i32 to index
      %get3A_617 = tpu.vector_load %arg8[%get3A_616] {strides = array<i32>} : memref<1584xf32, #tpu.memory_space<vmem>>, vector<16xf32>,
      %mul3A_618 = arith.constant 32 : i32
      %mul3A_619 = arith.muli %scan3A_600, %mul3A_618 : i32
      %add3A_620 = arith.constant 16 : i32
      %add3A_621 = arith.addi %mul3A_619, %add3A_620 : i32
      %get3A_622 = arith.index_cast %add3A_621 : i32 to index
      %get3A_623 = tpu.vector_load %arg7[%get3A_622] {strides = array<i32>} : memref<1024xf32, #tpu.memory_space<vmem>>, vector<16xf32>,
      %add3A_624 = arith.addf %get3A_617, %get3A_623 : vector<16xf32>
      %add3A_625 = arith.constant 48 : i32
      %add3A_626 = arith.addi %mul3A_602, %add3A_625 : i32
      %add3A_627 = arith.constant 16 : i32
      %add3A_628 = arith.addi %add3A_626, %add3A_627 : i32
      %swap3A_629 = arith.index_cast %add3A_628 : i32 to index
      %swap3A_630 = tpu.vector_load %arg8[%swap3A_629] {strides = array<i32>} : memref<1584xf32, #tpu.memory_space<vmem>>, vector<16xf32>,
      tpu.vector_store %arg8[%swap3A_629], %add3A_624 {strides = array<i32>} : memref<1584xf32, #tpu.memory_space<vmem>>, vector<16xf32>,
      %add3A_631 = arith.constant 48 : i32
      %add3A_632 = arith.addi %mul3A_602, %add3A_631 : i32
      %add3A_633 = arith.constant 32 : i32
      %add3A_634 = arith.addi %add3A_632, %add3A_633 : i32
      %swap3A_635 = arith.index_cast %add3A_634 : i32 to index
      %swap3A_636 = tpu.vector_load %arg8[%swap3A_635] {strides = array<i32>} : memref<1584xf32, #tpu.memory_space<vmem>>, vector<16xf32>,
      tpu.vector_store %arg8[%swap3A_635], %broadcast_in_dim3A_3 {strides = array<i32>} : memref<1584xf32, #tpu.memory_space<vmem>>, vector<16xf32>,
      %scan3A_637 = arith.constant 1 : i32
      %scan3A_638 = arith.addi %scan3A_600, %scan3A_637 : i32
      %mul3A_639 = arith.constant 48 : i32
      %mul3A_640 = arith.muli %scan3A_638, %mul3A_639 : i32
      %get3A_641 = arith.index_cast %mul3A_640 : i32 to index
      %get3A_642 = tpu.vector_load %arg8[%get3A_641] {strides = array<i32>} : memref<1584xf32, #tpu.memory_space<vmem>>, vector<16xf32>,
      %mul3A_643 = arith.constant 32 : i32
      %mul3A_644 = arith.muli %scan3A_638, %mul3A_643 : i32
      %get3A_645 = arith.index_cast %mul3A_644 : i32 to index
      %get3A_646 = tpu.vector_load %arg7[%get3A_645] {strides = array<i32>} : memref<1024xf32, #tpu.memory_space<vmem>>, vector<16xf32>,
      %add3A_647 = arith.addf %get3A_642, %get3A_646 : vector<16xf32>
      %add3A_648 = arith.constant 48 : i32
      %add3A_649 = arith.addi %mul3A_640, %add3A_648 : i32
      %swap3A_650 = arith.index_cast %add3A_649 : i32 to index
      %swap3A_651 = tpu.vector_load %arg8[%swap3A_650] {strides = array<i32>} : memref<1584xf32, #tpu.memory_space<vmem>>, vector<16xf32>,
      tpu.vector_store %arg8[%swap3A_650], %add3A_647 {strides = array<i32>} : memref<1584xf32, #tpu.memory_space<vmem>>, vector<16xf32>,
      %add3A_652 = arith.constant 16 : i32
      %add3A_653 = arith.addi %mul3A_640, %add3A_652 : i32
      %get3A_654 = arith.index_cast %add3A_653 : i32 to index
      %get3A_655 = tpu.vector_load %arg8[%get3A_654] {strides = array<i32>} : memref<1584xf32, #tpu.memory_space<vmem>>, vector<16xf32>,
      %mul3A_656 = arith.constant 32 : i32
      %mul3A_657 = arith.muli %scan3A_638, %mul3A_656 : i32
      %add3A_658 = arith.constant 16 : i32
      %add3A_659 = arith.addi %mul3A_657, %add3A_658 : i32
      %get3A_660 = arith.index_cast %add3A_659 : i32 to index
      %get3A_661 = tpu.vector_load %arg7[%get3A_660] {strides = array<i32>} : memref<1024xf32, #tpu.memory_space<vmem>>, vector<16xf32>,
      %add3A_662 = arith.addf %get3A_655, %get3A_661 : vector<16xf32>
      %add3A_663 = arith.constant 48 : i32
      %add3A_664 = arith.addi %mul3A_640, %add3A_663 : i32
      %add3A_665 = arith.constant 16 : i32
      %add3A_666 = arith.addi %add3A_664, %add3A_665 : i32
      %swap3A_667 = arith.index_cast %add3A_666 : i32 to index
      %swap3A_668 = tpu.vector_load %arg8[%swap3A_667] {strides = array<i32>} : memref<1584xf32, #tpu.memory_space<vmem>>, vector<16xf32>,
      tpu.vector_store %arg8[%swap3A_667], %add3A_662 {strides = array<i32>} : memref<1584xf32, #tpu.memory_space<vmem>>, vector<16xf32>,
      %add3A_669 = arith.constant 48 : i32
      %add3A_670 = arith.addi %mul3A_640, %add3A_669 : i32
      %add3A_671 = arith.constant 32 : i32
      %add3A_672 = arith.addi %add3A_670, %add3A_671 : i32
      %swap3A_673 = arith.index_cast %add3A_672 : i32 to index
      %swap3A_674 = tpu.vector_load %arg8[%swap3A_673] {strides = array<i32>} : memref<1584xf32, #tpu.memory_space<vmem>>, vector<16xf32>,
      tpu.vector_store %arg8[%swap3A_673], %broadcast_in_dim3A_3 {strides = array<i32>} : memref<1584xf32, #tpu.memory_space<vmem>>, vector<16xf32>,
    }
    %scan3A_21 = arith.constant 32 : i32
    tpu.wait_dma2 semaphore(%arg13 : memref<!tpu.dma_semaphore, #tpu.memory_space<semaphore_mem>>) src(%arg3 : memref<16192xi32, #tpu.memory_space<hbm>>) dst(%arg11 : memref<16192xi32, #tpu.memory_space<vmem>>)
    %parallel_loop3A_22 = arith.constant 0 : i32
    %parallel_loop3A_23 = arith.constant 253 : i32
    %parallel_loop3A_24 = arith.constant 1 : i32
    scf.for %parallel_loop3A_600 = %parallel_loop3A_22 to %parallel_loop3A_23 step %parallel_loop3A_24  : i32 {
      %parallel_loop3A_601 = arith.constant 16 : i32
      %parallel_loop3A_602 = arith.muli %parallel_loop3A_600, %parallel_loop3A_601 : i32
      %parallel_loop3A_603 = arith.index_cast %parallel_loop3A_602 : i32 to index
      %parallel_loop3A_604 = tpu.vector_load %arg11[%parallel_loop3A_603] {strides = array<i32>} : memref<16192xi32, #tpu.memory_space<vmem>>, vector<16xi32>,
      %parallel_loop3A_605 = arith.constant 2047 : i32
      %parallel_loop3A_606 = vector.broadcast %parallel_loop3A_605 : i32 to vector<16xi32>
      %parallel_loop3A_607 = arith.andi %parallel_loop3A_604, %parallel_loop3A_606 : vector<16xi32>
      %parallel_loop3A_608 = arith.constant 11 : i32
      %parallel_loop3A_609 = vector.broadcast %parallel_loop3A_608 : i32 to vector<16xi32>
      %parallel_loop3A_610 = arith.shrsi %parallel_loop3A_604, %parallel_loop3A_609 : vector<16xi32>
      %parallel_loop3A_611 = arith.constant 1023 : i32
      %parallel_loop3A_612 = vector.broadcast %parallel_loop3A_611 : i32 to vector<16xi32>
      %parallel_loop3A_613 = arith.andi %parallel_loop3A_610, %parallel_loop3A_612 : vector<16xi32>
      %parallel_loop3A_614 = arith.constant 21 : i32
      %parallel_loop3A_615 = vector.broadcast %parallel_loop3A_614 : i32 to vector<16xi32>
      %parallel_loop3A_616 = arith.shrsi %parallel_loop3A_604, %parallel_loop3A_615 : vector<16xi32>
      %parallel_loop3A_617 = arith.constant 48 : i32
      %parallel_loop3A_618 = vector.broadcast %parallel_loop3A_617 : i32 to vector<16xi32>
      %parallel_loop3A_619 = arith.subi %parallel_loop3A_616, %parallel_loop3A_618 : vector<16xi32>
      %parallel_loop3A_620 = arith.subi %parallel_loop3A_607, %parallel_loop3A_613 : vector<16xi32>
      %parallel_loop3A_621 = arith.subi %parallel_loop3A_607, %parallel_loop3A_619 : vector<16xi32>
      %parallel_loop3A_622 = arith.subi %parallel_loop3A_621, %parallel_loop3A_613 : vector<16xi32>
      %parallel_loop3A_623 = tpu.vector_load_idx %arg8[%parallel_loop3A_607] : memref<1584xf32, #tpu.memory_space<vmem>>[vector<16xi32>], vector<16xf32>,
      %parallel_loop3A_624 = tpu.vector_load_idx %arg8[%parallel_loop3A_620] : memref<1584xf32, #tpu.memory_space<vmem>>[vector<16xi32>], vector<16xf32>,
      %parallel_loop3A_625 = tpu.vector_load_idx %arg8[%parallel_loop3A_621] : memref<1584xf32, #tpu.memory_space<vmem>>[vector<16xi32>], vector<16xf32>,
      %parallel_loop3A_626 = tpu.vector_load_idx %arg8[%parallel_loop3A_622] : memref<1584xf32, #tpu.memory_space<vmem>>[vector<16xi32>], vector<16xf32>,
      %parallel_loop3A_627 = arith.subf %parallel_loop3A_623, %parallel_loop3A_624 : vector<16xf32>
      %parallel_loop3A_628 = arith.subf %parallel_loop3A_627, %parallel_loop3A_625 : vector<16xf32>
      %parallel_loop3A_629 = arith.addf %parallel_loop3A_628, %parallel_loop3A_626 : vector<16xf32>
      %parallel_loop3A_630 = arith.constant 12144 : i32
      %parallel_loop3A_631 = arith.addi %parallel_loop3A_630, %parallel_loop3A_602 : i32
      %parallel_loop3A_632 = arith.index_cast %parallel_loop3A_631 : i32 to index
      %parallel_loop3A_633 = tpu.vector_load %arg11[%parallel_loop3A_632] {strides = array<i32>} : memref<16192xi32, #tpu.memory_space<vmem>>, vector<16xi32>,
      %parallel_loop3A_634 = vector.bitcast %parallel_loop3A_633 : vector<16xi32> to vector<16xf32>
      %parallel_loop3A_635 = arith.mulf %parallel_loop3A_629, %parallel_loop3A_634 : vector<16xf32>
      %parallel_loop3A_636 = arith.index_cast %parallel_loop3A_602 : i32 to index
      %parallel_loop3A_637 = tpu.vector_load %arg9[%parallel_loop3A_636] {strides = array<i32>} : memref<4048xf32, #tpu.memory_space<vmem>>, vector<16xf32>,
      tpu.vector_store %arg9[%parallel_loop3A_636], %parallel_loop3A_635 {strides = array<i32>} : memref<4048xf32, #tpu.memory_space<vmem>>, vector<16xf32>,
      %parallel_loop3A_638 = vector.broadcast %parallel_loop3A_602 : i32 to vector<16xi32>
      %parallel_loop3A_639 = arith.addi %iota3A, %parallel_loop3A_638 : vector<16xi32>
      %parallel_loop3A_640 = arith.constant 4041 : i32
      %parallel_loop3A_641 = vector.broadcast %parallel_loop3A_640 : i32 to vector<16xi32>
      %parallel_loop3A_642 = arith.cmpi slt, %parallel_loop3A_639, %parallel_loop3A_641 : vector<16xi32>
      %parallel_loop3A_643 = arith.select %parallel_loop3A_642, %parallel_loop3A_635, %broadcast_in_dim3A_7 : vector<16xi1>, vector<16xf32>
      %parallel_loop3A_644 = arith.index_cast %parallel_loop3A_602 : i32 to index
      %parallel_loop3A_645 = tpu.vector_load %arg10[%parallel_loop3A_644] {strides = array<i32>} : memref<4048xf32, #tpu.memory_space<vmem>>, vector<16xf32>,
      tpu.vector_store %arg10[%parallel_loop3A_644], %parallel_loop3A_643 {strides = array<i32>} : memref<4048xf32, #tpu.memory_space<vmem>>, vector<16xf32>,
    } {sc.loop_unroll_factor = 4 : i64, sc.parallel_access}
    %lt3A = arith.constant 11 : i32
    %lt3A_25 = vector.broadcast %lt3A : i32 to vector<16xi32>
    %lt3A_26 = arith.cmpi slt, %iota3A, %lt3A_25 : vector<16xi32>
    %lt3A_27 = arith.constant 14 : i32
    %lt3A_28 = vector.broadcast %lt3A_27 : i32 to vector<16xi32>
    %lt3A_29 = arith.cmpi slt, %iota3A, %lt3A_28 : vector<16xi32>
    %scan3A_30 = arith.constant 0 : i32
    %scan3A_31 = arith.constant 116 : i32
    %scan3A_32 = arith.addi %scan3A_30, %scan3A_31 : i32
    %scan3A_33 = arith.constant 2 : i32
    %scan3A_34:2 = scf.for %scan3A_600 = %scan3A_30 to %scan3A_32 step %scan3A_33 iter_args(%scan3A_601 = %broadcast_in_dim3A_7, %scan3A_602 = %broadcast_in_dim3A_5) -> (vector<16xf32>, vector<16xi32>)  : i32 {
      %mul3A_603 = arith.constant 16 : i32
      %mul3A_604 = arith.muli %scan3A_600, %mul3A_603 : i32
      %get3A_605 = arith.index_cast %mul3A_604 : i32 to index
      %get3A_606 = tpu.vector_load %arg10[%get3A_605] {strides = array<i32>} : memref<4048xf32, #tpu.memory_space<vmem>>, vector<16xf32>,
      %gt3A_607 = arith.cmpf ogt, %get3A_606, %scan3A_601 : vector<16xf32>
      %select_n3A_608 = arith.select %gt3A_607, %get3A_606, %scan3A_601 : vector<16xi1>, vector<16xf32>
      %broadcast_in_dim3A_609 = vector.broadcast %scan3A_600 : i32 to vector<16xi32>
      %select_n3A_610 = arith.select %gt3A_607, %broadcast_in_dim3A_609, %scan3A_602 : vector<16xi1>, vector<16xi32>
      %scan3A_611 = arith.constant 1 : i32
      %scan3A_612 = arith.addi %scan3A_600, %scan3A_611 : i32
      %mul3A_613 = arith.constant 16 : i32
      %mul3A_614 = arith.muli %scan3A_612, %mul3A_613 : i32
      %get3A_615 = arith.index_cast %mul3A_614 : i32 to index
      %get3A_616 = tpu.vector_load %arg10[%get3A_615] {strides = array<i32>} : memref<4048xf32, #tpu.memory_space<vmem>>, vector<16xf32>,
      %gt3A_617 = arith.cmpf ogt, %get3A_616, %select_n3A_608 : vector<16xf32>
      %select_n3A_618 = arith.select %gt3A_617, %get3A_616, %select_n3A_608 : vector<16xi1>, vector<16xf32>
      %broadcast_in_dim3A_619 = vector.broadcast %scan3A_612 : i32 to vector<16xi32>
      %select_n3A_620 = arith.select %gt3A_617, %broadcast_in_dim3A_619, %select_n3A_610 : vector<16xi1>, vector<16xi32>
      scf.yield %select_n3A_618, %select_n3A_620 : vector<16xf32>, vector<16xi32>
    }
    %scan3A_35 = arith.constant 116 : i32
    %get3A = arith.constant 1856 : index
    %get3A_36 = tpu.vector_load %arg10[%get3A] {strides = array<i32>} : memref<4048xf32, #tpu.memory_space<vmem>>, vector<16xf32>,
    %select_n3A = arith.select %lt3A_26, %get3A_36, %broadcast_in_dim3A_7 : vector<16xi1>, vector<16xf32>
    %gt3A = arith.cmpf ogt, %select_n3A, %scan3A_34#0 : vector<16xf32>
    %select_n3A_37 = arith.select %gt3A, %select_n3A, %scan3A_34#0 : vector<16xi1>, vector<16xf32>
    %broadcast_in_dim3A_38 = arith.constant 116 : i32
    %broadcast_in_dim3A_39 = vector.broadcast %broadcast_in_dim3A_38 : i32 to vector<16xi32>
    %select_n3A_40 = arith.select %gt3A, %broadcast_in_dim3A_39, %scan3A_34#1 : vector<16xi1>, vector<16xi32>
    %reduce_max3A = arith.constant true
    %reduce_max3A_41 = vector.broadcast %reduce_max3A : i1 to vector<16xi1>
    %reduce_max3A_42 = tpu.scan <max>, %select_n3A_37 masked %reduce_max3A_41 : vector<16xf32>, vector<16xi1> -> vector<16xf32>
    %reduce_max3A_43 = vector.extract %reduce_max3A_42[15] : f32 from vector<16xf32>
    %eq3A = vector.broadcast %reduce_max3A_43 : f32 to vector<16xf32>
    %eq3A_44 = arith.cmpf oeq, %select_n3A_37, %eq3A : vector<16xf32>
    %mul3A_45 = arith.constant 16 : i32
    %mul3A_46 = vector.broadcast %mul3A_45 : i32 to vector<16xi32>
    %mul3A_47 = arith.muli %select_n3A_40, %mul3A_46 : vector<16xi32>
    %add3A_48 = arith.addi %mul3A_47, %iota3A : vector<16xi32>
    %select_n3A_49 = arith.select %eq3A_44, %add3A_48, %broadcast_in_dim3A_9 : vector<16xi1>, vector<16xi32>
    %reduce_min3A = arith.constant true
    %reduce_min3A_50 = vector.broadcast %reduce_min3A : i1 to vector<16xi1>
    %reduce_min3A_51 = arith.constant -2147483648 : i32
    %reduce_min3A_52 = vector.broadcast %reduce_min3A_51 : i32 to vector<16xi32>
    %reduce_min3A_53 = arith.xori %select_n3A_49, %reduce_min3A_52 : vector<16xi32>
    %reduce_min3A_54 = tpu.scan <min>, %reduce_min3A_53 masked %reduce_min3A_50 : vector<16xi32>, vector<16xi1> -> vector<16xi32>
    %reduce_min3A_55 = arith.xori %reduce_min3A_54, %reduce_min3A_52 : vector<16xi32>
    %reduce_min3A_56 = vector.extract %reduce_min3A_55[15] : i32 from vector<16xi32>
    %broadcast_in_dim3A_57 = vector.broadcast %reduce_min3A_56 : i32 to vector<16xi32>
    %gather3A = tpu.vector_load_idx %arg9[%broadcast_in_dim3A_57] : memref<4048xf32, #tpu.memory_space<vmem>>[vector<16xi32>], vector<16xf32>,
    %eq3A_58 = arith.constant 0 : i32
    %eq3A_59 = vector.broadcast %eq3A_58 : i32 to vector<16xi32>
    %eq3A_60 = arith.cmpi eq, %iota3A, %eq3A_59 : vector<16xi32>
    %select_n3A_61 = arith.select %eq3A_60, %broadcast_in_dim3A_57, %broadcast_in_dim3A_5 : vector<16xi1>, vector<16xi32>
    %eq3A_62 = arith.constant 6 : i32
    %eq3A_63 = vector.broadcast %eq3A_62 : i32 to vector<16xi32>
    %eq3A_64 = arith.cmpi eq, %iota3A, %eq3A_63 : vector<16xi32>
    %bitcast3A = vector.bitcast %gather3A : vector<16xf32> to vector<16xi32>
    %select_n3A_65 = arith.select %eq3A_64, %bitcast3A, %select_n3A_61 : vector<16xi1>, vector<16xi32>
    %add3A_66 = arith.constant 4048 : i32
    %add3A_67 = vector.broadcast %add3A_66 : i32 to vector<16xi32>
    %add3A_68 = arith.addi %broadcast_in_dim3A_57, %add3A_67 : vector<16xi32>
    %gather3A_69 = tpu.vector_load_idx %arg11[%add3A_68] : memref<16192xi32, #tpu.memory_space<vmem>>[vector<16xi32>], vector<16xi32>,
    %broadcast_in_dim3A_70 = arith.constant 255 : i32
    %broadcast_in_dim3A_71 = vector.broadcast %broadcast_in_dim3A_70 : i32 to vector<16xi32>
    %and3A = arith.andi %gather3A_69, %broadcast_in_dim3A_71 : vector<16xi32>
    %shift_right_arithmetic3A = arith.constant 8 : i32
    %shift_right_arithmetic3A_72 = vector.broadcast %shift_right_arithmetic3A : i32 to vector<16xi32>
    %shift_right_arithmetic3A_73 = arith.shrsi %gather3A_69, %shift_right_arithmetic3A_72 : vector<16xi32>
    %and3A_74 = arith.andi %shift_right_arithmetic3A_73, %broadcast_in_dim3A_71 : vector<16xi32>
    %shift_right_arithmetic3A_75 = arith.constant 16 : i32
    %shift_right_arithmetic3A_76 = vector.broadcast %shift_right_arithmetic3A_75 : i32 to vector<16xi32>
    %shift_right_arithmetic3A_77 = arith.shrsi %gather3A_69, %shift_right_arithmetic3A_76 : vector<16xi32>
    %and3A_78 = arith.andi %shift_right_arithmetic3A_77, %broadcast_in_dim3A_71 : vector<16xi32>
    %shift_right_arithmetic3A_79 = arith.constant 24 : i32
    %shift_right_arithmetic3A_80 = vector.broadcast %shift_right_arithmetic3A_79 : i32 to vector<16xi32>
    %shift_right_arithmetic3A_81 = arith.shrsi %gather3A_69, %shift_right_arithmetic3A_80 : vector<16xi32>
    %and3A_82 = arith.andi %shift_right_arithmetic3A_81, %broadcast_in_dim3A_71 : vector<16xi32>
    %parallel_loop3A_83 = arith.constant 0 : i32
    %parallel_loop3A_84 = arith.constant 116 : i32
    %parallel_loop3A_85 = arith.constant 1 : i32
    %parallel_loop3A_86:2 = scf.for %parallel_loop3A_600 = %parallel_loop3A_83 to %parallel_loop3A_84 step %parallel_loop3A_85 iter_args(%parallel_loop3A_601 = %broadcast_in_dim3A_7, %parallel_loop3A_602 = %broadcast_in_dim3A_5) -> (vector<16xf32>, vector<16xi32>)  : i32 {
      %parallel_loop3A_603 = arith.constant 16 : i32
      %parallel_loop3A_604 = arith.muli %parallel_loop3A_600, %parallel_loop3A_603 : i32
      %parallel_loop3A_605 = arith.index_cast %parallel_loop3A_604 : i32 to index
      %parallel_loop3A_606 = tpu.vector_load %arg10[%parallel_loop3A_605] {strides = array<i32>} : memref<4048xf32, #tpu.memory_space<vmem>>, vector<16xf32>,
      %parallel_loop3A_607 = arith.constant 4048 : i32
      %parallel_loop3A_608 = arith.addi %parallel_loop3A_607, %parallel_loop3A_604 : i32
      %parallel_loop3A_609 = arith.index_cast %parallel_loop3A_608 : i32 to index
      %parallel_loop3A_610 = tpu.vector_load %arg11[%parallel_loop3A_609] {strides = array<i32>} : memref<16192xi32, #tpu.memory_space<vmem>>, vector<16xi32>,
      %parallel_loop3A_611 = arith.constant 255 : i32
      %parallel_loop3A_612 = vector.broadcast %parallel_loop3A_611 : i32 to vector<16xi32>
      %parallel_loop3A_613 = arith.andi %parallel_loop3A_610, %parallel_loop3A_612 : vector<16xi32>
      %parallel_loop3A_614 = arith.constant 8 : i32
      %parallel_loop3A_615 = vector.broadcast %parallel_loop3A_614 : i32 to vector<16xi32>
      %parallel_loop3A_616 = arith.shrsi %parallel_loop3A_610, %parallel_loop3A_615 : vector<16xi32>
      %parallel_loop3A_617 = arith.andi %parallel_loop3A_616, %parallel_loop3A_612 : vector<16xi32>
      %parallel_loop3A_618 = arith.constant 16 : i32
      %parallel_loop3A_619 = vector.broadcast %parallel_loop3A_618 : i32 to vector<16xi32>
      %parallel_loop3A_620 = arith.shrsi %parallel_loop3A_610, %parallel_loop3A_619 : vector<16xi32>
      %parallel_loop3A_621 = arith.andi %parallel_loop3A_620, %parallel_loop3A_612 : vector<16xi32>
      %parallel_loop3A_622 = arith.constant 24 : i32
      %parallel_loop3A_623 = vector.broadcast %parallel_loop3A_622 : i32 to vector<16xi32>
      %parallel_loop3A_624 = arith.shrsi %parallel_loop3A_610, %parallel_loop3A_623 : vector<16xi32>
      %parallel_loop3A_625 = arith.andi %parallel_loop3A_624, %parallel_loop3A_612 : vector<16xi32>
      %parallel_loop3A_626 = arith.constant 0 : i32
      %parallel_loop3A_627 = vector.broadcast %parallel_loop3A_626 : i32 to vector<16xi32>
      %parallel_loop3A_628 = arith.minsi %parallel_loop3A_621, %and3A_78 : vector<16xi32>
      %parallel_loop3A_629 = arith.maxsi %parallel_loop3A_613, %and3A : vector<16xi32>
      %parallel_loop3A_630 = arith.subi %parallel_loop3A_628, %parallel_loop3A_629 : vector<16xi32>
      %parallel_loop3A_631 = arith.constant 1 : i32
      %parallel_loop3A_632 = vector.broadcast %parallel_loop3A_631 : i32 to vector<16xi32>
      %parallel_loop3A_633 = arith.addi %parallel_loop3A_630, %parallel_loop3A_632 : vector<16xi32>
      %parallel_loop3A_634 = arith.maxsi %parallel_loop3A_633, %parallel_loop3A_627 : vector<16xi32>
      %parallel_loop3A_635 = arith.minsi %parallel_loop3A_625, %and3A_82 : vector<16xi32>
      %parallel_loop3A_636 = arith.maxsi %parallel_loop3A_617, %and3A_74 : vector<16xi32>
      %parallel_loop3A_637 = arith.subi %parallel_loop3A_635, %parallel_loop3A_636 : vector<16xi32>
      %parallel_loop3A_638 = arith.constant 1 : i32
      %parallel_loop3A_639 = vector.broadcast %parallel_loop3A_638 : i32 to vector<16xi32>
      %parallel_loop3A_640 = arith.addi %parallel_loop3A_637, %parallel_loop3A_639 : vector<16xi32>
      %parallel_loop3A_641 = arith.maxsi %parallel_loop3A_640, %parallel_loop3A_627 : vector<16xi32>
      %parallel_loop3A_642 = arith.muli %parallel_loop3A_634, %parallel_loop3A_641 : vector<16xi32>
      %parallel_loop3A_643 = arith.constant 8096 : i32
      %parallel_loop3A_644 = arith.addi %parallel_loop3A_643, %parallel_loop3A_604 : i32
      %parallel_loop3A_645 = arith.index_cast %parallel_loop3A_644 : i32 to index
      %parallel_loop3A_646 = tpu.vector_load %arg11[%parallel_loop3A_645] {strides = array<i32>} : memref<16192xi32, #tpu.memory_space<vmem>>, vector<16xi32>,
      %parallel_loop3A_647 = arith.subi %and3A_78, %and3A : vector<16xi32>
      %parallel_loop3A_648 = arith.constant 1 : i32
      %parallel_loop3A_649 = vector.broadcast %parallel_loop3A_648 : i32 to vector<16xi32>
      %parallel_loop3A_650 = arith.addi %parallel_loop3A_647, %parallel_loop3A_649 : vector<16xi32>
      %parallel_loop3A_651 = arith.subi %and3A_82, %and3A_74 : vector<16xi32>
      %parallel_loop3A_652 = arith.constant 1 : i32
      %parallel_loop3A_653 = vector.broadcast %parallel_loop3A_652 : i32 to vector<16xi32>
      %parallel_loop3A_654 = arith.addi %parallel_loop3A_651, %parallel_loop3A_653 : vector<16xi32>
      %parallel_loop3A_655 = arith.muli %parallel_loop3A_650, %parallel_loop3A_654 : vector<16xi32>
      %parallel_loop3A_656 = arith.constant 4 : i32
      %parallel_loop3A_657 = vector.broadcast %parallel_loop3A_656 : i32 to vector<16xi32>
      %parallel_loop3A_658 = arith.muli %parallel_loop3A_642, %parallel_loop3A_657 : vector<16xi32>
      %parallel_loop3A_659 = arith.addi %parallel_loop3A_646, %parallel_loop3A_655 : vector<16xi32>
      %parallel_loop3A_660 = arith.subi %parallel_loop3A_659, %parallel_loop3A_642 : vector<16xi32>
      %parallel_loop3A_661 = arith.cmpi sle, %parallel_loop3A_658, %parallel_loop3A_660 : vector<16xi32>
      %parallel_loop3A_662 = arith.select %parallel_loop3A_661, %parallel_loop3A_606, %broadcast_in_dim3A_7 : vector<16xi1>, vector<16xf32>
      %parallel_loop3A_663 = arith.index_cast %parallel_loop3A_604 : i32 to index
      %parallel_loop3A_664 = tpu.vector_load %arg10[%parallel_loop3A_663] {strides = array<i32>} : memref<4048xf32, #tpu.memory_space<vmem>>, vector<16xf32>,
      tpu.vector_store %arg10[%parallel_loop3A_663], %parallel_loop3A_662 {strides = array<i32>} : memref<4048xf32, #tpu.memory_space<vmem>>, vector<16xf32>,
      %parallel_loop3A_665 = arith.cmpf ogt, %parallel_loop3A_662, %parallel_loop3A_601 : vector<16xf32>
      %parallel_loop3A_666 = arith.select %parallel_loop3A_665, %parallel_loop3A_662, %parallel_loop3A_601 : vector<16xi1>, vector<16xf32>
      %parallel_loop3A_667 = vector.broadcast %parallel_loop3A_600 : i32 to vector<16xi32>
      %parallel_loop3A_668 = arith.select %parallel_loop3A_665, %parallel_loop3A_667, %parallel_loop3A_602 : vector<16xi1>, vector<16xi32>
      scf.yield %parallel_loop3A_666, %parallel_loop3A_668 : vector<16xf32>, vector<16xi32>
    } {sc.loop_unroll_factor = 2 : i64, sc.parallel_access}
    %get3A_87 = arith.constant 1856 : index
    %get3A_88 = tpu.vector_load %arg10[%get3A_87] {strides = array<i32>} : memref<4048xf32, #tpu.memory_space<vmem>>, vector<16xf32>,
    %get3A_89 = arith.constant 5904 : index
    %get3A_90 = tpu.vector_load %arg11[%get3A_89] {strides = array<i32>} : memref<16192xi32, #tpu.memory_space<vmem>>, vector<16xi32>,
    %broadcast_in_dim3A_91 = arith.constant 255 : i32
    %broadcast_in_dim3A_92 = vector.broadcast %broadcast_in_dim3A_91 : i32 to vector<16xi32>
    %and3A_93 = arith.andi %get3A_90, %broadcast_in_dim3A_92 : vector<16xi32>
    %shift_right_arithmetic3A_94 = arith.constant 8 : i32
    %shift_right_arithmetic3A_95 = vector.broadcast %shift_right_arithmetic3A_94 : i32 to vector<16xi32>
    %shift_right_arithmetic3A_96 = arith.shrsi %get3A_90, %shift_right_arithmetic3A_95 : vector<16xi32>
    %and3A_97 = arith.andi %shift_right_arithmetic3A_96, %broadcast_in_dim3A_92 : vector<16xi32>
    %shift_right_arithmetic3A_98 = arith.constant 16 : i32
    %shift_right_arithmetic3A_99 = vector.broadcast %shift_right_arithmetic3A_98 : i32 to vector<16xi32>
    %shift_right_arithmetic3A_100 = arith.shrsi %get3A_90, %shift_right_arithmetic3A_99 : vector<16xi32>
    %and3A_101 = arith.andi %shift_right_arithmetic3A_100, %broadcast_in_dim3A_92 : vector<16xi32>
    %shift_right_arithmetic3A_102 = arith.constant 24 : i32
    %shift_right_arithmetic3A_103 = vector.broadcast %shift_right_arithmetic3A_102 : i32 to vector<16xi32>
    %shift_right_arithmetic3A_104 = arith.shrsi %get3A_90, %shift_right_arithmetic3A_103 : vector<16xi32>
    %and3A_105 = arith.andi %shift_right_arithmetic3A_104, %broadcast_in_dim3A_92 : vector<16xi32>
    %broadcast_in_dim3A_106 = arith.constant 0 : i32
    %broadcast_in_dim3A_107 = vector.broadcast %broadcast_in_dim3A_106 : i32 to vector<16xi32>
    %min3A = arith.minsi %and3A_101, %and3A_78 : vector<16xi32>
    %max3A = arith.maxsi %and3A_93, %and3A : vector<16xi32>
    %sub3A = arith.subi %min3A, %max3A : vector<16xi32>
    %add3A_108 = arith.constant 1 : i32
    %add3A_109 = vector.broadcast %add3A_108 : i32 to vector<16xi32>
    %add3A_110 = arith.addi %sub3A, %add3A_109 : vector<16xi32>
    %max3A_111 = arith.maxsi %add3A_110, %broadcast_in_dim3A_107 : vector<16xi32>
    %min3A_112 = arith.minsi %and3A_105, %and3A_82 : vector<16xi32>
    %max3A_113 = arith.maxsi %and3A_97, %and3A_74 : vector<16xi32>
    %sub3A_114 = arith.subi %min3A_112, %max3A_113 : vector<16xi32>
    %add3A_115 = arith.constant 1 : i32
    %add3A_116 = vector.broadcast %add3A_115 : i32 to vector<16xi32>
    %add3A_117 = arith.addi %sub3A_114, %add3A_116 : vector<16xi32>
    %max3A_118 = arith.maxsi %add3A_117, %broadcast_in_dim3A_107 : vector<16xi32>
    %mul3A_119 = arith.muli %max3A_111, %max3A_118 : vector<16xi32>
    %get3A_120 = arith.constant 9952 : index
    %get3A_121 = tpu.vector_load %arg11[%get3A_120] {strides = array<i32>} : memref<16192xi32, #tpu.memory_space<vmem>>, vector<16xi32>,
    %sub3A_122 = arith.subi %and3A_78, %and3A : vector<16xi32>
    %add3A_123 = arith.constant 1 : i32
    %add3A_124 = vector.broadcast %add3A_123 : i32 to vector<16xi32>
    %add3A_125 = arith.addi %sub3A_122, %add3A_124 : vector<16xi32>
    %sub3A_126 = arith.subi %and3A_82, %and3A_74 : vector<16xi32>
    %add3A_127 = arith.constant 1 : i32
    %add3A_128 = vector.broadcast %add3A_127 : i32 to vector<16xi32>
    %add3A_129 = arith.addi %sub3A_126, %add3A_128 : vector<16xi32>
    %mul3A_130 = arith.muli %add3A_125, %add3A_129 : vector<16xi32>
    %mul3A_131 = arith.constant 4 : i32
    %mul3A_132 = vector.broadcast %mul3A_131 : i32 to vector<16xi32>
    %mul3A_133 = arith.muli %mul3A_119, %mul3A_132 : vector<16xi32>
    %add3A_134 = arith.addi %get3A_121, %mul3A_130 : vector<16xi32>
    %sub3A_135 = arith.subi %add3A_134, %mul3A_119 : vector<16xi32>
    %le3A = arith.cmpi sle, %mul3A_133, %sub3A_135 : vector<16xi32>
    %not3A = arith.constant dense<true> : vector<16xi1>
    %not3A_136 = arith.xori %lt3A_26, %not3A : vector<16xi1>
    %or3A = arith.ori %le3A, %not3A_136 : vector<16xi1>
    %select_n3A_137 = arith.select %or3A, %get3A_88, %broadcast_in_dim3A_7 : vector<16xi1>, vector<16xf32>
    %swap3A_138 = arith.constant 1856 : index
    %swap3A_139 = tpu.vector_load %arg10[%swap3A_138] {strides = array<i32>} : memref<4048xf32, #tpu.memory_space<vmem>>, vector<16xf32>,
    tpu.vector_store %arg10[%swap3A_138], %select_n3A_137 {strides = array<i32>} : memref<4048xf32, #tpu.memory_space<vmem>>, vector<16xf32>,
    %select_n3A_140 = arith.select %lt3A_26, %select_n3A_137, %broadcast_in_dim3A_7 : vector<16xi1>, vector<16xf32>
    %gt3A_141 = arith.cmpf ogt, %select_n3A_140, %parallel_loop3A_86#0 : vector<16xf32>
    %select_n3A_142 = arith.select %gt3A_141, %select_n3A_140, %parallel_loop3A_86#0 : vector<16xi1>, vector<16xf32>
    %broadcast_in_dim3A_143 = arith.constant 116 : i32
    %broadcast_in_dim3A_144 = vector.broadcast %broadcast_in_dim3A_143 : i32 to vector<16xi32>
    %select_n3A_145 = arith.select %gt3A_141, %broadcast_in_dim3A_144, %parallel_loop3A_86#1 : vector<16xi1>, vector<16xi32>
    %reduce_max3A_146 = arith.constant true
    %reduce_max3A_147 = vector.broadcast %reduce_max3A_146 : i1 to vector<16xi1>
    %reduce_max3A_148 = tpu.scan <max>, %select_n3A_142 masked %reduce_max3A_147 : vector<16xf32>, vector<16xi1> -> vector<16xf32>
    %reduce_max3A_149 = vector.extract %reduce_max3A_148[15] : f32 from vector<16xf32>
    %eq3A_150 = vector.broadcast %reduce_max3A_149 : f32 to vector<16xf32>
    %eq3A_151 = arith.cmpf oeq, %select_n3A_142, %eq3A_150 : vector<16xf32>
    %mul3A_152 = arith.constant 16 : i32
    %mul3A_153 = vector.broadcast %mul3A_152 : i32 to vector<16xi32>
    %mul3A_154 = arith.muli %select_n3A_145, %mul3A_153 : vector<16xi32>
    %add3A_155 = arith.addi %mul3A_154, %iota3A : vector<16xi32>
    %select_n3A_156 = arith.select %eq3A_151, %add3A_155, %broadcast_in_dim3A_9 : vector<16xi1>, vector<16xi32>
    %reduce_min3A_157 = arith.constant true
    %reduce_min3A_158 = vector.broadcast %reduce_min3A_157 : i1 to vector<16xi1>
    %reduce_min3A_159 = arith.constant -2147483648 : i32
    %reduce_min3A_160 = vector.broadcast %reduce_min3A_159 : i32 to vector<16xi32>
    %reduce_min3A_161 = arith.xori %select_n3A_156, %reduce_min3A_160 : vector<16xi32>
    %reduce_min3A_162 = tpu.scan <min>, %reduce_min3A_161 masked %reduce_min3A_158 : vector<16xi32>, vector<16xi1> -> vector<16xi32>
    %reduce_min3A_163 = arith.xori %reduce_min3A_162, %reduce_min3A_160 : vector<16xi32>
    %reduce_min3A_164 = vector.extract %reduce_min3A_163[15] : i32 from vector<16xi32>
    %gt3A_165 = arith.constant 0xFF800000 : f32
    %gt3A_166 = arith.cmpf ogt, %reduce_max3A_149, %gt3A_165 : f32
    %select_n3A_167 = arith.select %gt3A_166, %reduce_min3A_164, %reduce_min3A_56 : i32
    %broadcast_in_dim3A_168 = vector.broadcast %select_n3A_167 : i32 to vector<16xi32>
    %gather3A_169 = tpu.vector_load_idx %arg9[%broadcast_in_dim3A_168] : memref<4048xf32, #tpu.memory_space<vmem>>[vector<16xi32>], vector<16xf32>,
    %eq3A_170 = arith.constant 1 : i32
    %eq3A_171 = vector.broadcast %eq3A_170 : i32 to vector<16xi32>
    %eq3A_172 = arith.cmpi eq, %iota3A, %eq3A_171 : vector<16xi32>
    %select_n3A_173 = arith.select %eq3A_172, %broadcast_in_dim3A_168, %select_n3A_65 : vector<16xi1>, vector<16xi32>
    %eq3A_174 = arith.constant 7 : i32
    %eq3A_175 = vector.broadcast %eq3A_174 : i32 to vector<16xi32>
    %eq3A_176 = arith.cmpi eq, %iota3A, %eq3A_175 : vector<16xi32>
    %bitcast3A_177 = vector.bitcast %gather3A_169 : vector<16xf32> to vector<16xi32>
    %select_n3A_178 = arith.select %eq3A_176, %bitcast3A_177, %select_n3A_173 : vector<16xi1>, vector<16xi32>
    %add3A_179 = arith.constant 4048 : i32
    %add3A_180 = vector.broadcast %add3A_179 : i32 to vector<16xi32>
    %add3A_181 = arith.addi %broadcast_in_dim3A_168, %add3A_180 : vector<16xi32>
    %gather3A_182 = tpu.vector_load_idx %arg11[%add3A_181] : memref<16192xi32, #tpu.memory_space<vmem>>[vector<16xi32>], vector<16xi32>,
    %broadcast_in_dim3A_183 = arith.constant 255 : i32
    %broadcast_in_dim3A_184 = vector.broadcast %broadcast_in_dim3A_183 : i32 to vector<16xi32>
    %and3A_185 = arith.andi %gather3A_182, %broadcast_in_dim3A_184 : vector<16xi32>
    %shift_right_arithmetic3A_186 = arith.constant 8 : i32
    %shift_right_arithmetic3A_187 = vector.broadcast %shift_right_arithmetic3A_186 : i32 to vector<16xi32>
    %shift_right_arithmetic3A_188 = arith.shrsi %gather3A_182, %shift_right_arithmetic3A_187 : vector<16xi32>
    %and3A_189 = arith.andi %shift_right_arithmetic3A_188, %broadcast_in_dim3A_184 : vector<16xi32>
    %shift_right_arithmetic3A_190 = arith.constant 16 : i32
    %shift_right_arithmetic3A_191 = vector.broadcast %shift_right_arithmetic3A_190 : i32 to vector<16xi32>
    %shift_right_arithmetic3A_192 = arith.shrsi %gather3A_182, %shift_right_arithmetic3A_191 : vector<16xi32>
    %and3A_193 = arith.andi %shift_right_arithmetic3A_192, %broadcast_in_dim3A_184 : vector<16xi32>
    %shift_right_arithmetic3A_194 = arith.constant 24 : i32
    %shift_right_arithmetic3A_195 = vector.broadcast %shift_right_arithmetic3A_194 : i32 to vector<16xi32>
    %shift_right_arithmetic3A_196 = arith.shrsi %gather3A_182, %shift_right_arithmetic3A_195 : vector<16xi32>
    %and3A_197 = arith.andi %shift_right_arithmetic3A_196, %broadcast_in_dim3A_184 : vector<16xi32>
    %parallel_loop3A_198 = arith.constant 0 : i32
    %parallel_loop3A_199 = arith.constant 116 : i32
    %parallel_loop3A_200 = arith.constant 1 : i32
    %parallel_loop3A_201:2 = scf.for %parallel_loop3A_600 = %parallel_loop3A_198 to %parallel_loop3A_199 step %parallel_loop3A_200 iter_args(%parallel_loop3A_601 = %broadcast_in_dim3A_7, %parallel_loop3A_602 = %broadcast_in_dim3A_5) -> (vector<16xf32>, vector<16xi32>)  : i32 {
      %parallel_loop3A_603 = arith.constant 16 : i32
      %parallel_loop3A_604 = arith.muli %parallel_loop3A_600, %parallel_loop3A_603 : i32
      %parallel_loop3A_605 = arith.index_cast %parallel_loop3A_604 : i32 to index
      %parallel_loop3A_606 = tpu.vector_load %arg10[%parallel_loop3A_605] {strides = array<i32>} : memref<4048xf32, #tpu.memory_space<vmem>>, vector<16xf32>,
      %parallel_loop3A_607 = arith.constant 4048 : i32
      %parallel_loop3A_608 = arith.addi %parallel_loop3A_607, %parallel_loop3A_604 : i32
      %parallel_loop3A_609 = arith.index_cast %parallel_loop3A_608 : i32 to index
      %parallel_loop3A_610 = tpu.vector_load %arg11[%parallel_loop3A_609] {strides = array<i32>} : memref<16192xi32, #tpu.memory_space<vmem>>, vector<16xi32>,
      %parallel_loop3A_611 = arith.constant 255 : i32
      %parallel_loop3A_612 = vector.broadcast %parallel_loop3A_611 : i32 to vector<16xi32>
      %parallel_loop3A_613 = arith.andi %parallel_loop3A_610, %parallel_loop3A_612 : vector<16xi32>
      %parallel_loop3A_614 = arith.constant 8 : i32
      %parallel_loop3A_615 = vector.broadcast %parallel_loop3A_614 : i32 to vector<16xi32>
      %parallel_loop3A_616 = arith.shrsi %parallel_loop3A_610, %parallel_loop3A_615 : vector<16xi32>
      %parallel_loop3A_617 = arith.andi %parallel_loop3A_616, %parallel_loop3A_612 : vector<16xi32>
      %parallel_loop3A_618 = arith.constant 16 : i32
      %parallel_loop3A_619 = vector.broadcast %parallel_loop3A_618 : i32 to vector<16xi32>
      %parallel_loop3A_620 = arith.shrsi %parallel_loop3A_610, %parallel_loop3A_619 : vector<16xi32>
      %parallel_loop3A_621 = arith.andi %parallel_loop3A_620, %parallel_loop3A_612 : vector<16xi32>
      %parallel_loop3A_622 = arith.constant 24 : i32
      %parallel_loop3A_623 = vector.broadcast %parallel_loop3A_622 : i32 to vector<16xi32>
      %parallel_loop3A_624 = arith.shrsi %parallel_loop3A_610, %parallel_loop3A_623 : vector<16xi32>
      %parallel_loop3A_625 = arith.andi %parallel_loop3A_624, %parallel_loop3A_612 : vector<16xi32>
      %parallel_loop3A_626 = arith.constant 0 : i32
      %parallel_loop3A_627 = vector.broadcast %parallel_loop3A_626 : i32 to vector<16xi32>
      %parallel_loop3A_628 = arith.minsi %parallel_loop3A_621, %and3A_193 : vector<16xi32>
      %parallel_loop3A_629 = arith.maxsi %parallel_loop3A_613, %and3A_185 : vector<16xi32>
      %parallel_loop3A_630 = arith.subi %parallel_loop3A_628, %parallel_loop3A_629 : vector<16xi32>
      %parallel_loop3A_631 = arith.constant 1 : i32
      %parallel_loop3A_632 = vector.broadcast %parallel_loop3A_631 : i32 to vector<16xi32>
      %parallel_loop3A_633 = arith.addi %parallel_loop3A_630, %parallel_loop3A_632 : vector<16xi32>
      %parallel_loop3A_634 = arith.maxsi %parallel_loop3A_633, %parallel_loop3A_627 : vector<16xi32>
      %parallel_loop3A_635 = arith.minsi %parallel_loop3A_625, %and3A_197 : vector<16xi32>
      %parallel_loop3A_636 = arith.maxsi %parallel_loop3A_617, %and3A_189 : vector<16xi32>
      %parallel_loop3A_637 = arith.subi %parallel_loop3A_635, %parallel_loop3A_636 : vector<16xi32>
      %parallel_loop3A_638 = arith.constant 1 : i32
      %parallel_loop3A_639 = vector.broadcast %parallel_loop3A_638 : i32 to vector<16xi32>
      %parallel_loop3A_640 = arith.addi %parallel_loop3A_637, %parallel_loop3A_639 : vector<16xi32>
      %parallel_loop3A_641 = arith.maxsi %parallel_loop3A_640, %parallel_loop3A_627 : vector<16xi32>
      %parallel_loop3A_642 = arith.muli %parallel_loop3A_634, %parallel_loop3A_641 : vector<16xi32>
      %parallel_loop3A_643 = arith.constant 8096 : i32
      %parallel_loop3A_644 = arith.addi %parallel_loop3A_643, %parallel_loop3A_604 : i32
      %parallel_loop3A_645 = arith.index_cast %parallel_loop3A_644 : i32 to index
      %parallel_loop3A_646 = tpu.vector_load %arg11[%parallel_loop3A_645] {strides = array<i32>} : memref<16192xi32, #tpu.memory_space<vmem>>, vector<16xi32>,
      %parallel_loop3A_647 = arith.subi %and3A_193, %and3A_185 : vector<16xi32>
      %parallel_loop3A_648 = arith.constant 1 : i32
      %parallel_loop3A_649 = vector.broadcast %parallel_loop3A_648 : i32 to vector<16xi32>
      %parallel_loop3A_650 = arith.addi %parallel_loop3A_647, %parallel_loop3A_649 : vector<16xi32>
      %parallel_loop3A_651 = arith.subi %and3A_197, %and3A_189 : vector<16xi32>
      %parallel_loop3A_652 = arith.constant 1 : i32
      %parallel_loop3A_653 = vector.broadcast %parallel_loop3A_652 : i32 to vector<16xi32>
      %parallel_loop3A_654 = arith.addi %parallel_loop3A_651, %parallel_loop3A_653 : vector<16xi32>
      %parallel_loop3A_655 = arith.muli %parallel_loop3A_650, %parallel_loop3A_654 : vector<16xi32>
      %parallel_loop3A_656 = arith.constant 4 : i32
      %parallel_loop3A_657 = vector.broadcast %parallel_loop3A_656 : i32 to vector<16xi32>
      %parallel_loop3A_658 = arith.muli %parallel_loop3A_642, %parallel_loop3A_657 : vector<16xi32>
      %parallel_loop3A_659 = arith.addi %parallel_loop3A_646, %parallel_loop3A_655 : vector<16xi32>
      %parallel_loop3A_660 = arith.subi %parallel_loop3A_659, %parallel_loop3A_642 : vector<16xi32>
      %parallel_loop3A_661 = arith.cmpi sle, %parallel_loop3A_658, %parallel_loop3A_660 : vector<16xi32>
      %parallel_loop3A_662 = arith.select %parallel_loop3A_661, %parallel_loop3A_606, %broadcast_in_dim3A_7 : vector<16xi1>, vector<16xf32>
      %parallel_loop3A_663 = arith.index_cast %parallel_loop3A_604 : i32 to index
      %parallel_loop3A_664 = tpu.vector_load %arg10[%parallel_loop3A_663] {strides = array<i32>} : memref<4048xf32, #tpu.memory_space<vmem>>, vector<16xf32>,
      tpu.vector_store %arg10[%parallel_loop3A_663], %parallel_loop3A_662 {strides = array<i32>} : memref<4048xf32, #tpu.memory_space<vmem>>, vector<16xf32>,
      %parallel_loop3A_665 = arith.cmpf ogt, %parallel_loop3A_662, %parallel_loop3A_601 : vector<16xf32>
      %parallel_loop3A_666 = arith.select %parallel_loop3A_665, %parallel_loop3A_662, %parallel_loop3A_601 : vector<16xi1>, vector<16xf32>
      %parallel_loop3A_667 = vector.broadcast %parallel_loop3A_600 : i32 to vector<16xi32>
      %parallel_loop3A_668 = arith.select %parallel_loop3A_665, %parallel_loop3A_667, %parallel_loop3A_602 : vector<16xi1>, vector<16xi32>
      scf.yield %parallel_loop3A_666, %parallel_loop3A_668 : vector<16xf32>, vector<16xi32>
    } {sc.loop_unroll_factor = 2 : i64, sc.parallel_access}
    %get3A_202 = arith.constant 1856 : index
    %get3A_203 = tpu.vector_load %arg10[%get3A_202] {strides = array<i32>} : memref<4048xf32, #tpu.memory_space<vmem>>, vector<16xf32>,
    %get3A_204 = arith.constant 5904 : index
    %get3A_205 = tpu.vector_load %arg11[%get3A_204] {strides = array<i32>} : memref<16192xi32, #tpu.memory_space<vmem>>, vector<16xi32>,
    %broadcast_in_dim3A_206 = arith.constant 255 : i32
    %broadcast_in_dim3A_207 = vector.broadcast %broadcast_in_dim3A_206 : i32 to vector<16xi32>
    %and3A_208 = arith.andi %get3A_205, %broadcast_in_dim3A_207 : vector<16xi32>
    %shift_right_arithmetic3A_209 = arith.constant 8 : i32
    %shift_right_arithmetic3A_210 = vector.broadcast %shift_right_arithmetic3A_209 : i32 to vector<16xi32>
    %shift_right_arithmetic3A_211 = arith.shrsi %get3A_205, %shift_right_arithmetic3A_210 : vector<16xi32>
    %and3A_212 = arith.andi %shift_right_arithmetic3A_211, %broadcast_in_dim3A_207 : vector<16xi32>
    %shift_right_arithmetic3A_213 = arith.constant 16 : i32
    %shift_right_arithmetic3A_214 = vector.broadcast %shift_right_arithmetic3A_213 : i32 to vector<16xi32>
    %shift_right_arithmetic3A_215 = arith.shrsi %get3A_205, %shift_right_arithmetic3A_214 : vector<16xi32>
    %and3A_216 = arith.andi %shift_right_arithmetic3A_215, %broadcast_in_dim3A_207 : vector<16xi32>
    %shift_right_arithmetic3A_217 = arith.constant 24 : i32
    %shift_right_arithmetic3A_218 = vector.broadcast %shift_right_arithmetic3A_217 : i32 to vector<16xi32>
    %shift_right_arithmetic3A_219 = arith.shrsi %get3A_205, %shift_right_arithmetic3A_218 : vector<16xi32>
    %and3A_220 = arith.andi %shift_right_arithmetic3A_219, %broadcast_in_dim3A_207 : vector<16xi32>
    %broadcast_in_dim3A_221 = arith.constant 0 : i32
    %broadcast_in_dim3A_222 = vector.broadcast %broadcast_in_dim3A_221 : i32 to vector<16xi32>
    %min3A_223 = arith.minsi %and3A_216, %and3A_193 : vector<16xi32>
    %max3A_224 = arith.maxsi %and3A_208, %and3A_185 : vector<16xi32>
    %sub3A_225 = arith.subi %min3A_223, %max3A_224 : vector<16xi32>
    %add3A_226 = arith.constant 1 : i32
    %add3A_227 = vector.broadcast %add3A_226 : i32 to vector<16xi32>
    %add3A_228 = arith.addi %sub3A_225, %add3A_227 : vector<16xi32>
    %max3A_229 = arith.maxsi %add3A_228, %broadcast_in_dim3A_222 : vector<16xi32>
    %min3A_230 = arith.minsi %and3A_220, %and3A_197 : vector<16xi32>
    %max3A_231 = arith.maxsi %and3A_212, %and3A_189 : vector<16xi32>
    %sub3A_232 = arith.subi %min3A_230, %max3A_231 : vector<16xi32>
    %add3A_233 = arith.constant 1 : i32
    %add3A_234 = vector.broadcast %add3A_233 : i32 to vector<16xi32>
    %add3A_235 = arith.addi %sub3A_232, %add3A_234 : vector<16xi32>
    %max3A_236 = arith.maxsi %add3A_235, %broadcast_in_dim3A_222 : vector<16xi32>
    %mul3A_237 = arith.muli %max3A_229, %max3A_236 : vector<16xi32>
    %get3A_238 = arith.constant 9952 : index
    %get3A_239 = tpu.vector_load %arg11[%get3A_238] {strides = array<i32>} : memref<16192xi32, #tpu.memory_space<vmem>>, vector<16xi32>,
    %sub3A_240 = arith.subi %and3A_193, %and3A_185 : vector<16xi32>
    %add3A_241 = arith.constant 1 : i32
    %add3A_242 = vector.broadcast %add3A_241 : i32 to vector<16xi32>
    %add3A_243 = arith.addi %sub3A_240, %add3A_242 : vector<16xi32>
    %sub3A_244 = arith.subi %and3A_197, %and3A_189 : vector<16xi32>
    %add3A_245 = arith.constant 1 : i32
    %add3A_246 = vector.broadcast %add3A_245 : i32 to vector<16xi32>
    %add3A_247 = arith.addi %sub3A_244, %add3A_246 : vector<16xi32>
    %mul3A_248 = arith.muli %add3A_243, %add3A_247 : vector<16xi32>
    %mul3A_249 = arith.constant 4 : i32
    %mul3A_250 = vector.broadcast %mul3A_249 : i32 to vector<16xi32>
    %mul3A_251 = arith.muli %mul3A_237, %mul3A_250 : vector<16xi32>
    %add3A_252 = arith.addi %get3A_239, %mul3A_248 : vector<16xi32>
    %sub3A_253 = arith.subi %add3A_252, %mul3A_237 : vector<16xi32>
    %le3A_254 = arith.cmpi sle, %mul3A_251, %sub3A_253 : vector<16xi32>
    %not3A_255 = arith.constant dense<true> : vector<16xi1>
    %not3A_256 = arith.xori %lt3A_26, %not3A_255 : vector<16xi1>
    %or3A_257 = arith.ori %le3A_254, %not3A_256 : vector<16xi1>
    %select_n3A_258 = arith.select %or3A_257, %get3A_203, %broadcast_in_dim3A_7 : vector<16xi1>, vector<16xf32>
    %swap3A_259 = arith.constant 1856 : index
    %swap3A_260 = tpu.vector_load %arg10[%swap3A_259] {strides = array<i32>} : memref<4048xf32, #tpu.memory_space<vmem>>, vector<16xf32>,
    tpu.vector_store %arg10[%swap3A_259], %select_n3A_258 {strides = array<i32>} : memref<4048xf32, #tpu.memory_space<vmem>>, vector<16xf32>,
    %select_n3A_261 = arith.select %lt3A_26, %select_n3A_258, %broadcast_in_dim3A_7 : vector<16xi1>, vector<16xf32>
    %gt3A_262 = arith.cmpf ogt, %select_n3A_261, %parallel_loop3A_201#0 : vector<16xf32>
    %select_n3A_263 = arith.select %gt3A_262, %select_n3A_261, %parallel_loop3A_201#0 : vector<16xi1>, vector<16xf32>
    %broadcast_in_dim3A_264 = arith.constant 116 : i32
    %broadcast_in_dim3A_265 = vector.broadcast %broadcast_in_dim3A_264 : i32 to vector<16xi32>
    %select_n3A_266 = arith.select %gt3A_262, %broadcast_in_dim3A_265, %parallel_loop3A_201#1 : vector<16xi1>, vector<16xi32>
    %reduce_max3A_267 = arith.constant true
    %reduce_max3A_268 = vector.broadcast %reduce_max3A_267 : i1 to vector<16xi1>
    %reduce_max3A_269 = tpu.scan <max>, %select_n3A_263 masked %reduce_max3A_268 : vector<16xf32>, vector<16xi1> -> vector<16xf32>
    %reduce_max3A_270 = vector.extract %reduce_max3A_269[15] : f32 from vector<16xf32>
    %eq3A_271 = vector.broadcast %reduce_max3A_270 : f32 to vector<16xf32>
    %eq3A_272 = arith.cmpf oeq, %select_n3A_263, %eq3A_271 : vector<16xf32>
    %mul3A_273 = arith.constant 16 : i32
    %mul3A_274 = vector.broadcast %mul3A_273 : i32 to vector<16xi32>
    %mul3A_275 = arith.muli %select_n3A_266, %mul3A_274 : vector<16xi32>
    %add3A_276 = arith.addi %mul3A_275, %iota3A : vector<16xi32>
    %select_n3A_277 = arith.select %eq3A_272, %add3A_276, %broadcast_in_dim3A_9 : vector<16xi1>, vector<16xi32>
    %reduce_min3A_278 = arith.constant true
    %reduce_min3A_279 = vector.broadcast %reduce_min3A_278 : i1 to vector<16xi1>
    %reduce_min3A_280 = arith.constant -2147483648 : i32
    %reduce_min3A_281 = vector.broadcast %reduce_min3A_280 : i32 to vector<16xi32>
    %reduce_min3A_282 = arith.xori %select_n3A_277, %reduce_min3A_281 : vector<16xi32>
    %reduce_min3A_283 = tpu.scan <min>, %reduce_min3A_282 masked %reduce_min3A_279 : vector<16xi32>, vector<16xi1> -> vector<16xi32>
    %reduce_min3A_284 = arith.xori %reduce_min3A_283, %reduce_min3A_281 : vector<16xi32>
    %reduce_min3A_285 = vector.extract %reduce_min3A_284[15] : i32 from vector<16xi32>
    %gt3A_286 = arith.constant 0xFF800000 : f32
    %gt3A_287 = arith.cmpf ogt, %reduce_max3A_270, %gt3A_286 : f32
    %select_n3A_288 = arith.select %gt3A_287, %reduce_min3A_285, %select_n3A_167 : i32
    %broadcast_in_dim3A_289 = vector.broadcast %select_n3A_288 : i32 to vector<16xi32>
    %gather3A_290 = tpu.vector_load_idx %arg9[%broadcast_in_dim3A_289] : memref<4048xf32, #tpu.memory_space<vmem>>[vector<16xi32>], vector<16xf32>,
    %eq3A_291 = arith.constant 2 : i32
    %eq3A_292 = vector.broadcast %eq3A_291 : i32 to vector<16xi32>
    %eq3A_293 = arith.cmpi eq, %iota3A, %eq3A_292 : vector<16xi32>
    %select_n3A_294 = arith.select %eq3A_293, %broadcast_in_dim3A_289, %select_n3A_178 : vector<16xi1>, vector<16xi32>
    %eq3A_295 = arith.constant 8 : i32
    %eq3A_296 = vector.broadcast %eq3A_295 : i32 to vector<16xi32>
    %eq3A_297 = arith.cmpi eq, %iota3A, %eq3A_296 : vector<16xi32>
    %bitcast3A_298 = vector.bitcast %gather3A_290 : vector<16xf32> to vector<16xi32>
    %select_n3A_299 = arith.select %eq3A_297, %bitcast3A_298, %select_n3A_294 : vector<16xi1>, vector<16xi32>
    %not3A_300 = arith.constant dense<true> : vector<16xi1>
    %not3A_301 = arith.xori %lt3A_26, %not3A_300 : vector<16xi1>
    %get3A_302 = arith.constant 1856 : index
    %get3A_303 = tpu.vector_load %arg10[%get3A_302] {strides = array<i32>} : memref<4048xf32, #tpu.memory_space<vmem>>, vector<16xf32>,
    %select_n3A_304 = arith.select %not3A_301, %get3A_303, %broadcast_in_dim3A_7 : vector<16xi1>, vector<16xf32>
    %gt3A_305 = arith.cmpf ogt, %select_n3A_304, %broadcast_in_dim3A_7 : vector<16xf32>
    %select_n3A_306 = arith.select %gt3A_305, %select_n3A_304, %broadcast_in_dim3A_7 : vector<16xi1>, vector<16xf32>
    %broadcast_in_dim3A_307 = arith.constant 116 : i32
    %broadcast_in_dim3A_308 = vector.broadcast %broadcast_in_dim3A_307 : i32 to vector<16xi32>
    %select_n3A_309 = arith.select %gt3A_305, %broadcast_in_dim3A_308, %broadcast_in_dim3A_5 : vector<16xi1>, vector<16xi32>
    %scan3A_310 = arith.constant 117 : i32
    %scan3A_311 = arith.constant 80 : i32
    %scan3A_312 = arith.addi %scan3A_310, %scan3A_311 : i32
    %scan3A_313 = arith.constant 2 : i32
    %scan3A_314:2 = scf.for %scan3A_600 = %scan3A_310 to %scan3A_312 step %scan3A_313 iter_args(%scan3A_601 = %select_n3A_306, %scan3A_602 = %select_n3A_309) -> (vector<16xf32>, vector<16xi32>)  : i32 {
      %mul3A_603 = arith.constant 16 : i32
      %mul3A_604 = arith.muli %scan3A_600, %mul3A_603 : i32
      %get3A_605 = arith.index_cast %mul3A_604 : i32 to index
      %get3A_606 = tpu.vector_load %arg10[%get3A_605] {strides = array<i32>} : memref<4048xf32, #tpu.memory_space<vmem>>, vector<16xf32>,
      %gt3A_607 = arith.cmpf ogt, %get3A_606, %scan3A_601 : vector<16xf32>
      %select_n3A_608 = arith.select %gt3A_607, %get3A_606, %scan3A_601 : vector<16xi1>, vector<16xf32>
      %broadcast_in_dim3A_609 = vector.broadcast %scan3A_600 : i32 to vector<16xi32>
      %select_n3A_610 = arith.select %gt3A_607, %broadcast_in_dim3A_609, %scan3A_602 : vector<16xi1>, vector<16xi32>
      %scan3A_611 = arith.constant 1 : i32
      %scan3A_612 = arith.addi %scan3A_600, %scan3A_611 : i32
      %mul3A_613 = arith.constant 16 : i32
      %mul3A_614 = arith.muli %scan3A_612, %mul3A_613 : i32
      %get3A_615 = arith.index_cast %mul3A_614 : i32 to index
      %get3A_616 = tpu.vector_load %arg10[%get3A_615] {strides = array<i32>} : memref<4048xf32, #tpu.memory_space<vmem>>, vector<16xf32>,
      %gt3A_617 = arith.cmpf ogt, %get3A_616, %select_n3A_608 : vector<16xf32>
      %select_n3A_618 = arith.select %gt3A_617, %get3A_616, %select_n3A_608 : vector<16xi1>, vector<16xf32>
      %broadcast_in_dim3A_619 = vector.broadcast %scan3A_612 : i32 to vector<16xi32>
      %select_n3A_620 = arith.select %gt3A_617, %broadcast_in_dim3A_619, %select_n3A_610 : vector<16xi1>, vector<16xi32>
      scf.yield %select_n3A_618, %select_n3A_620 : vector<16xf32>, vector<16xi32>
    }
    %scan3A_315 = arith.constant 80 : i32
    %scan3A_316 = arith.addi %scan3A_310, %scan3A_315 : i32
    %mul3A_317 = arith.constant 16 : i32
    %mul3A_318 = arith.muli %scan3A_316, %mul3A_317 : i32
    %get3A_319 = arith.index_cast %mul3A_318 : i32 to index
    %get3A_320 = tpu.vector_load %arg10[%get3A_319] {strides = array<i32>} : memref<4048xf32, #tpu.memory_space<vmem>>, vector<16xf32>,
    %gt3A_321 = arith.cmpf ogt, %get3A_320, %scan3A_314#0 : vector<16xf32>
    %select_n3A_322 = arith.select %gt3A_321, %get3A_320, %scan3A_314#0 : vector<16xi1>, vector<16xf32>
    %broadcast_in_dim3A_323 = vector.broadcast %scan3A_316 : i32 to vector<16xi32>
    %select_n3A_324 = arith.select %gt3A_321, %broadcast_in_dim3A_323, %scan3A_314#1 : vector<16xi1>, vector<16xi32>
    %scan3A_325 = arith.constant 81 : i32
    %get3A_326 = arith.constant 3168 : index
    %get3A_327 = tpu.vector_load %arg10[%get3A_326] {strides = array<i32>} : memref<4048xf32, #tpu.memory_space<vmem>>, vector<16xf32>,
    %select_n3A_328 = arith.select %lt3A_29, %get3A_327, %broadcast_in_dim3A_7 : vector<16xi1>, vector<16xf32>
    %gt3A_329 = arith.cmpf ogt, %select_n3A_328, %select_n3A_322 : vector<16xf32>
    %select_n3A_330 = arith.select %gt3A_329, %select_n3A_328, %select_n3A_322 : vector<16xi1>, vector<16xf32>
    %broadcast_in_dim3A_331 = arith.constant 198 : i32
    %broadcast_in_dim3A_332 = vector.broadcast %broadcast_in_dim3A_331 : i32 to vector<16xi32>
    %select_n3A_333 = arith.select %gt3A_329, %broadcast_in_dim3A_332, %select_n3A_324 : vector<16xi1>, vector<16xi32>
    %reduce_max3A_334 = arith.constant true
    %reduce_max3A_335 = vector.broadcast %reduce_max3A_334 : i1 to vector<16xi1>
    %reduce_max3A_336 = tpu.scan <max>, %select_n3A_330 masked %reduce_max3A_335 : vector<16xf32>, vector<16xi1> -> vector<16xf32>
    %reduce_max3A_337 = vector.extract %reduce_max3A_336[15] : f32 from vector<16xf32>
    %eq3A_338 = vector.broadcast %reduce_max3A_337 : f32 to vector<16xf32>
    %eq3A_339 = arith.cmpf oeq, %select_n3A_330, %eq3A_338 : vector<16xf32>
    %mul3A_340 = arith.constant 16 : i32
    %mul3A_341 = vector.broadcast %mul3A_340 : i32 to vector<16xi32>
    %mul3A_342 = arith.muli %select_n3A_333, %mul3A_341 : vector<16xi32>
    %add3A_343 = arith.addi %mul3A_342, %iota3A : vector<16xi32>
    %select_n3A_344 = arith.select %eq3A_339, %add3A_343, %broadcast_in_dim3A_9 : vector<16xi1>, vector<16xi32>
    %reduce_min3A_345 = arith.constant true
    %reduce_min3A_346 = vector.broadcast %reduce_min3A_345 : i1 to vector<16xi1>
    %reduce_min3A_347 = arith.constant -2147483648 : i32
    %reduce_min3A_348 = vector.broadcast %reduce_min3A_347 : i32 to vector<16xi32>
    %reduce_min3A_349 = arith.xori %select_n3A_344, %reduce_min3A_348 : vector<16xi32>
    %reduce_min3A_350 = tpu.scan <min>, %reduce_min3A_349 masked %reduce_min3A_346 : vector<16xi32>, vector<16xi1> -> vector<16xi32>
    %reduce_min3A_351 = arith.xori %reduce_min3A_350, %reduce_min3A_348 : vector<16xi32>
    %reduce_min3A_352 = vector.extract %reduce_min3A_351[15] : i32 from vector<16xi32>
    %broadcast_in_dim3A_353 = vector.broadcast %reduce_min3A_352 : i32 to vector<16xi32>
    %gather3A_354 = tpu.vector_load_idx %arg9[%broadcast_in_dim3A_353] : memref<4048xf32, #tpu.memory_space<vmem>>[vector<16xi32>], vector<16xf32>,
    %eq3A_355 = arith.constant 3 : i32
    %eq3A_356 = vector.broadcast %eq3A_355 : i32 to vector<16xi32>
    %eq3A_357 = arith.cmpi eq, %iota3A, %eq3A_356 : vector<16xi32>
    %select_n3A_358 = arith.select %eq3A_357, %broadcast_in_dim3A_353, %select_n3A_299 : vector<16xi1>, vector<16xi32>
    %eq3A_359 = arith.constant 9 : i32
    %eq3A_360 = vector.broadcast %eq3A_359 : i32 to vector<16xi32>
    %eq3A_361 = arith.cmpi eq, %iota3A, %eq3A_360 : vector<16xi32>
    %bitcast3A_362 = vector.bitcast %gather3A_354 : vector<16xf32> to vector<16xi32>
    %select_n3A_363 = arith.select %eq3A_361, %bitcast3A_362, %select_n3A_358 : vector<16xi1>, vector<16xi32>
    %add3A_364 = arith.constant 4048 : i32
    %add3A_365 = vector.broadcast %add3A_364 : i32 to vector<16xi32>
    %add3A_366 = arith.addi %broadcast_in_dim3A_353, %add3A_365 : vector<16xi32>
    %gather3A_367 = tpu.vector_load_idx %arg11[%add3A_366] : memref<16192xi32, #tpu.memory_space<vmem>>[vector<16xi32>], vector<16xi32>,
    %broadcast_in_dim3A_368 = arith.constant 255 : i32
    %broadcast_in_dim3A_369 = vector.broadcast %broadcast_in_dim3A_368 : i32 to vector<16xi32>
    %and3A_370 = arith.andi %gather3A_367, %broadcast_in_dim3A_369 : vector<16xi32>
    %shift_right_arithmetic3A_371 = arith.constant 8 : i32
    %shift_right_arithmetic3A_372 = vector.broadcast %shift_right_arithmetic3A_371 : i32 to vector<16xi32>
    %shift_right_arithmetic3A_373 = arith.shrsi %gather3A_367, %shift_right_arithmetic3A_372 : vector<16xi32>
    %and3A_374 = arith.andi %shift_right_arithmetic3A_373, %broadcast_in_dim3A_369 : vector<16xi32>
    %shift_right_arithmetic3A_375 = arith.constant 16 : i32
    %shift_right_arithmetic3A_376 = vector.broadcast %shift_right_arithmetic3A_375 : i32 to vector<16xi32>
    %shift_right_arithmetic3A_377 = arith.shrsi %gather3A_367, %shift_right_arithmetic3A_376 : vector<16xi32>
    %and3A_378 = arith.andi %shift_right_arithmetic3A_377, %broadcast_in_dim3A_369 : vector<16xi32>
    %shift_right_arithmetic3A_379 = arith.constant 24 : i32
    %shift_right_arithmetic3A_380 = vector.broadcast %shift_right_arithmetic3A_379 : i32 to vector<16xi32>
    %shift_right_arithmetic3A_381 = arith.shrsi %gather3A_367, %shift_right_arithmetic3A_380 : vector<16xi32>
    %and3A_382 = arith.andi %shift_right_arithmetic3A_381, %broadcast_in_dim3A_369 : vector<16xi32>
    %not3A_383 = arith.constant dense<true> : vector<16xi1>
    %not3A_384 = arith.xori %lt3A_26, %not3A_383 : vector<16xi1>
    %get3A_385 = arith.constant 1856 : index
    %get3A_386 = tpu.vector_load %arg10[%get3A_385] {strides = array<i32>} : memref<4048xf32, #tpu.memory_space<vmem>>, vector<16xf32>,
    %get3A_387 = arith.constant 5904 : index
    %get3A_388 = tpu.vector_load %arg11[%get3A_387] {strides = array<i32>} : memref<16192xi32, #tpu.memory_space<vmem>>, vector<16xi32>,
    %broadcast_in_dim3A_389 = arith.constant 255 : i32
    %broadcast_in_dim3A_390 = vector.broadcast %broadcast_in_dim3A_389 : i32 to vector<16xi32>
    %and3A_391 = arith.andi %get3A_388, %broadcast_in_dim3A_390 : vector<16xi32>
    %shift_right_arithmetic3A_392 = arith.constant 8 : i32
    %shift_right_arithmetic3A_393 = vector.broadcast %shift_right_arithmetic3A_392 : i32 to vector<16xi32>
    %shift_right_arithmetic3A_394 = arith.shrsi %get3A_388, %shift_right_arithmetic3A_393 : vector<16xi32>
    %and3A_395 = arith.andi %shift_right_arithmetic3A_394, %broadcast_in_dim3A_390 : vector<16xi32>
    %shift_right_arithmetic3A_396 = arith.constant 16 : i32
    %shift_right_arithmetic3A_397 = vector.broadcast %shift_right_arithmetic3A_396 : i32 to vector<16xi32>
    %shift_right_arithmetic3A_398 = arith.shrsi %get3A_388, %shift_right_arithmetic3A_397 : vector<16xi32>
    %and3A_399 = arith.andi %shift_right_arithmetic3A_398, %broadcast_in_dim3A_390 : vector<16xi32>
    %shift_right_arithmetic3A_400 = arith.constant 24 : i32
    %shift_right_arithmetic3A_401 = vector.broadcast %shift_right_arithmetic3A_400 : i32 to vector<16xi32>
    %shift_right_arithmetic3A_402 = arith.shrsi %get3A_388, %shift_right_arithmetic3A_401 : vector<16xi32>
    %and3A_403 = arith.andi %shift_right_arithmetic3A_402, %broadcast_in_dim3A_390 : vector<16xi32>
    %broadcast_in_dim3A_404 = arith.constant 0 : i32
    %broadcast_in_dim3A_405 = vector.broadcast %broadcast_in_dim3A_404 : i32 to vector<16xi32>
    %min3A_406 = arith.minsi %and3A_399, %and3A_378 : vector<16xi32>
    %max3A_407 = arith.maxsi %and3A_391, %and3A_370 : vector<16xi32>
    %sub3A_408 = arith.subi %min3A_406, %max3A_407 : vector<16xi32>
    %add3A_409 = arith.constant 1 : i32
    %add3A_410 = vector.broadcast %add3A_409 : i32 to vector<16xi32>
    %add3A_411 = arith.addi %sub3A_408, %add3A_410 : vector<16xi32>
    %max3A_412 = arith.maxsi %add3A_411, %broadcast_in_dim3A_405 : vector<16xi32>
    %min3A_413 = arith.minsi %and3A_403, %and3A_382 : vector<16xi32>
    %max3A_414 = arith.maxsi %and3A_395, %and3A_374 : vector<16xi32>
    %sub3A_415 = arith.subi %min3A_413, %max3A_414 : vector<16xi32>
    %add3A_416 = arith.constant 1 : i32
    %add3A_417 = vector.broadcast %add3A_416 : i32 to vector<16xi32>
    %add3A_418 = arith.addi %sub3A_415, %add3A_417 : vector<16xi32>
    %max3A_419 = arith.maxsi %add3A_418, %broadcast_in_dim3A_405 : vector<16xi32>
    %mul3A_420 = arith.muli %max3A_412, %max3A_419 : vector<16xi32>
    %get3A_421 = arith.constant 9952 : index
    %get3A_422 = tpu.vector_load %arg11[%get3A_421] {strides = array<i32>} : memref<16192xi32, #tpu.memory_space<vmem>>, vector<16xi32>,
    %sub3A_423 = arith.subi %and3A_378, %and3A_370 : vector<16xi32>
    %add3A_424 = arith.constant 1 : i32
    %add3A_425 = vector.broadcast %add3A_424 : i32 to vector<16xi32>
    %add3A_426 = arith.addi %sub3A_423, %add3A_425 : vector<16xi32>
    %sub3A_427 = arith.subi %and3A_382, %and3A_374 : vector<16xi32>
    %add3A_428 = arith.constant 1 : i32
    %add3A_429 = vector.broadcast %add3A_428 : i32 to vector<16xi32>
    %add3A_430 = arith.addi %sub3A_427, %add3A_429 : vector<16xi32>
    %mul3A_431 = arith.muli %add3A_426, %add3A_430 : vector<16xi32>
    %mul3A_432 = arith.constant 4 : i32
    %mul3A_433 = vector.broadcast %mul3A_432 : i32 to vector<16xi32>
    %mul3A_434 = arith.muli %mul3A_420, %mul3A_433 : vector<16xi32>
    %add3A_435 = arith.addi %get3A_422, %mul3A_431 : vector<16xi32>
    %sub3A_436 = arith.subi %add3A_435, %mul3A_420 : vector<16xi32>
    %le3A_437 = arith.cmpi sle, %mul3A_434, %sub3A_436 : vector<16xi32>
    %not3A_438 = arith.constant dense<true> : vector<16xi1>
    %not3A_439 = arith.xori %not3A_384, %not3A_438 : vector<16xi1>
    %or3A_440 = arith.ori %le3A_437, %not3A_439 : vector<16xi1>
    %select_n3A_441 = arith.select %or3A_440, %get3A_386, %broadcast_in_dim3A_7 : vector<16xi1>, vector<16xf32>
    %swap3A_442 = arith.constant 1856 : index
    %swap3A_443 = tpu.vector_load %arg10[%swap3A_442] {strides = array<i32>} : memref<4048xf32, #tpu.memory_space<vmem>>, vector<16xf32>,
    tpu.vector_store %arg10[%swap3A_442], %select_n3A_441 {strides = array<i32>} : memref<4048xf32, #tpu.memory_space<vmem>>, vector<16xf32>,
    %select_n3A_444 = arith.select %not3A_384, %select_n3A_441, %broadcast_in_dim3A_7 : vector<16xi1>, vector<16xf32>
    %gt3A_445 = arith.cmpf ogt, %select_n3A_444, %broadcast_in_dim3A_7 : vector<16xf32>
    %select_n3A_446 = arith.select %gt3A_445, %select_n3A_444, %broadcast_in_dim3A_7 : vector<16xi1>, vector<16xf32>
    %broadcast_in_dim3A_447 = arith.constant 116 : i32
    %broadcast_in_dim3A_448 = vector.broadcast %broadcast_in_dim3A_447 : i32 to vector<16xi32>
    %select_n3A_449 = arith.select %gt3A_445, %broadcast_in_dim3A_448, %broadcast_in_dim3A_5 : vector<16xi1>, vector<16xi32>
    %parallel_loop3A_450 = arith.constant 117 : i32
    %parallel_loop3A_451 = arith.constant 198 : i32
    %parallel_loop3A_452 = arith.constant 1 : i32
    %parallel_loop3A_453:2 = scf.for %parallel_loop3A_600 = %parallel_loop3A_450 to %parallel_loop3A_451 step %parallel_loop3A_452 iter_args(%parallel_loop3A_601 = %select_n3A_446, %parallel_loop3A_602 = %select_n3A_449) -> (vector<16xf32>, vector<16xi32>)  : i32 {
      %parallel_loop3A_603 = arith.constant 16 : i32
      %parallel_loop3A_604 = arith.muli %parallel_loop3A_600, %parallel_loop3A_603 : i32
      %parallel_loop3A_605 = arith.index_cast %parallel_loop3A_604 : i32 to index
      %parallel_loop3A_606 = tpu.vector_load %arg10[%parallel_loop3A_605] {strides = array<i32>} : memref<4048xf32, #tpu.memory_space<vmem>>, vector<16xf32>,
      %parallel_loop3A_607 = arith.constant 4048 : i32
      %parallel_loop3A_608 = arith.addi %parallel_loop3A_607, %parallel_loop3A_604 : i32
      %parallel_loop3A_609 = arith.index_cast %parallel_loop3A_608 : i32 to index
      %parallel_loop3A_610 = tpu.vector_load %arg11[%parallel_loop3A_609] {strides = array<i32>} : memref<16192xi32, #tpu.memory_space<vmem>>, vector<16xi32>,
      %parallel_loop3A_611 = arith.constant 255 : i32
      %parallel_loop3A_612 = vector.broadcast %parallel_loop3A_611 : i32 to vector<16xi32>
      %parallel_loop3A_613 = arith.andi %parallel_loop3A_610, %parallel_loop3A_612 : vector<16xi32>
      %parallel_loop3A_614 = arith.constant 8 : i32
      %parallel_loop3A_615 = vector.broadcast %parallel_loop3A_614 : i32 to vector<16xi32>
      %parallel_loop3A_616 = arith.shrsi %parallel_loop3A_610, %parallel_loop3A_615 : vector<16xi32>
      %parallel_loop3A_617 = arith.andi %parallel_loop3A_616, %parallel_loop3A_612 : vector<16xi32>
      %parallel_loop3A_618 = arith.constant 16 : i32
      %parallel_loop3A_619 = vector.broadcast %parallel_loop3A_618 : i32 to vector<16xi32>
      %parallel_loop3A_620 = arith.shrsi %parallel_loop3A_610, %parallel_loop3A_619 : vector<16xi32>
      %parallel_loop3A_621 = arith.andi %parallel_loop3A_620, %parallel_loop3A_612 : vector<16xi32>
      %parallel_loop3A_622 = arith.constant 24 : i32
      %parallel_loop3A_623 = vector.broadcast %parallel_loop3A_622 : i32 to vector<16xi32>
      %parallel_loop3A_624 = arith.shrsi %parallel_loop3A_610, %parallel_loop3A_623 : vector<16xi32>
      %parallel_loop3A_625 = arith.andi %parallel_loop3A_624, %parallel_loop3A_612 : vector<16xi32>
      %parallel_loop3A_626 = arith.constant 0 : i32
      %parallel_loop3A_627 = vector.broadcast %parallel_loop3A_626 : i32 to vector<16xi32>
      %parallel_loop3A_628 = arith.minsi %parallel_loop3A_621, %and3A_378 : vector<16xi32>
      %parallel_loop3A_629 = arith.maxsi %parallel_loop3A_613, %and3A_370 : vector<16xi32>
      %parallel_loop3A_630 = arith.subi %parallel_loop3A_628, %parallel_loop3A_629 : vector<16xi32>
      %parallel_loop3A_631 = arith.constant 1 : i32
      %parallel_loop3A_632 = vector.broadcast %parallel_loop3A_631 : i32 to vector<16xi32>
      %parallel_loop3A_633 = arith.addi %parallel_loop3A_630, %parallel_loop3A_632 : vector<16xi32>
      %parallel_loop3A_634 = arith.maxsi %parallel_loop3A_633, %parallel_loop3A_627 : vector<16xi32>
      %parallel_loop3A_635 = arith.minsi %parallel_loop3A_625, %and3A_382 : vector<16xi32>
      %parallel_loop3A_636 = arith.maxsi %parallel_loop3A_617, %and3A_374 : vector<16xi32>
      %parallel_loop3A_637 = arith.subi %parallel_loop3A_635, %parallel_loop3A_636 : vector<16xi32>
      %parallel_loop3A_638 = arith.constant 1 : i32
      %parallel_loop3A_639 = vector.broadcast %parallel_loop3A_638 : i32 to vector<16xi32>
      %parallel_loop3A_640 = arith.addi %parallel_loop3A_637, %parallel_loop3A_639 : vector<16xi32>
      %parallel_loop3A_641 = arith.maxsi %parallel_loop3A_640, %parallel_loop3A_627 : vector<16xi32>
      %parallel_loop3A_642 = arith.muli %parallel_loop3A_634, %parallel_loop3A_641 : vector<16xi32>
      %parallel_loop3A_643 = arith.constant 8096 : i32
      %parallel_loop3A_644 = arith.addi %parallel_loop3A_643, %parallel_loop3A_604 : i32
      %parallel_loop3A_645 = arith.index_cast %parallel_loop3A_644 : i32 to index
      %parallel_loop3A_646 = tpu.vector_load %arg11[%parallel_loop3A_645] {strides = array<i32>} : memref<16192xi32, #tpu.memory_space<vmem>>, vector<16xi32>,
      %parallel_loop3A_647 = arith.subi %and3A_378, %and3A_370 : vector<16xi32>
      %parallel_loop3A_648 = arith.constant 1 : i32
      %parallel_loop3A_649 = vector.broadcast %parallel_loop3A_648 : i32 to vector<16xi32>
      %parallel_loop3A_650 = arith.addi %parallel_loop3A_647, %parallel_loop3A_649 : vector<16xi32>
      %parallel_loop3A_651 = arith.subi %and3A_382, %and3A_374 : vector<16xi32>
      %parallel_loop3A_652 = arith.constant 1 : i32
      %parallel_loop3A_653 = vector.broadcast %parallel_loop3A_652 : i32 to vector<16xi32>
      %parallel_loop3A_654 = arith.addi %parallel_loop3A_651, %parallel_loop3A_653 : vector<16xi32>
      %parallel_loop3A_655 = arith.muli %parallel_loop3A_650, %parallel_loop3A_654 : vector<16xi32>
      %parallel_loop3A_656 = arith.constant 4 : i32
      %parallel_loop3A_657 = vector.broadcast %parallel_loop3A_656 : i32 to vector<16xi32>
      %parallel_loop3A_658 = arith.muli %parallel_loop3A_642, %parallel_loop3A_657 : vector<16xi32>
      %parallel_loop3A_659 = arith.addi %parallel_loop3A_646, %parallel_loop3A_655 : vector<16xi32>
      %parallel_loop3A_660 = arith.subi %parallel_loop3A_659, %parallel_loop3A_642 : vector<16xi32>
      %parallel_loop3A_661 = arith.cmpi sle, %parallel_loop3A_658, %parallel_loop3A_660 : vector<16xi32>
      %parallel_loop3A_662 = arith.select %parallel_loop3A_661, %parallel_loop3A_606, %broadcast_in_dim3A_7 : vector<16xi1>, vector<16xf32>
      %parallel_loop3A_663 = arith.index_cast %parallel_loop3A_604 : i32 to index
      %parallel_loop3A_664 = tpu.vector_load %arg10[%parallel_loop3A_663] {strides = array<i32>} : memref<4048xf32, #tpu.memory_space<vmem>>, vector<16xf32>,
      tpu.vector_store %arg10[%parallel_loop3A_663], %parallel_loop3A_662 {strides = array<i32>} : memref<4048xf32, #tpu.memory_space<vmem>>, vector<16xf32>,
      %parallel_loop3A_665 = arith.cmpf ogt, %parallel_loop3A_662, %parallel_loop3A_601 : vector<16xf32>
      %parallel_loop3A_666 = arith.select %parallel_loop3A_665, %parallel_loop3A_662, %parallel_loop3A_601 : vector<16xi1>, vector<16xf32>
      %parallel_loop3A_667 = vector.broadcast %parallel_loop3A_600 : i32 to vector<16xi32>
      %parallel_loop3A_668 = arith.select %parallel_loop3A_665, %parallel_loop3A_667, %parallel_loop3A_602 : vector<16xi1>, vector<16xi32>
      scf.yield %parallel_loop3A_666, %parallel_loop3A_668 : vector<16xf32>, vector<16xi32>
    } {sc.loop_unroll_factor = 2 : i64, sc.parallel_access}
    %get3A_454 = arith.constant 3168 : index
    %get3A_455 = tpu.vector_load %arg10[%get3A_454] {strides = array<i32>} : memref<4048xf32, #tpu.memory_space<vmem>>, vector<16xf32>,
    %get3A_456 = arith.constant 7216 : index
    %get3A_457 = tpu.vector_load %arg11[%get3A_456] {strides = array<i32>} : memref<16192xi32, #tpu.memory_space<vmem>>, vector<16xi32>,
    %broadcast_in_dim3A_458 = arith.constant 255 : i32
    %broadcast_in_dim3A_459 = vector.broadcast %broadcast_in_dim3A_458 : i32 to vector<16xi32>
    %and3A_460 = arith.andi %get3A_457, %broadcast_in_dim3A_459 : vector<16xi32>
    %shift_right_arithmetic3A_461 = arith.constant 8 : i32
    %shift_right_arithmetic3A_462 = vector.broadcast %shift_right_arithmetic3A_461 : i32 to vector<16xi32>
    %shift_right_arithmetic3A_463 = arith.shrsi %get3A_457, %shift_right_arithmetic3A_462 : vector<16xi32>
    %and3A_464 = arith.andi %shift_right_arithmetic3A_463, %broadcast_in_dim3A_459 : vector<16xi32>
    %shift_right_arithmetic3A_465 = arith.constant 16 : i32
    %shift_right_arithmetic3A_466 = vector.broadcast %shift_right_arithmetic3A_465 : i32 to vector<16xi32>
    %shift_right_arithmetic3A_467 = arith.shrsi %get3A_457, %shift_right_arithmetic3A_466 : vector<16xi32>
    %and3A_468 = arith.andi %shift_right_arithmetic3A_467, %broadcast_in_dim3A_459 : vector<16xi32>
    %shift_right_arithmetic3A_469 = arith.constant 24 : i32
    %shift_right_arithmetic3A_470 = vector.broadcast %shift_right_arithmetic3A_469 : i32 to vector<16xi32>
    %shift_right_arithmetic3A_471 = arith.shrsi %get3A_457, %shift_right_arithmetic3A_470 : vector<16xi32>
    %and3A_472 = arith.andi %shift_right_arithmetic3A_471, %broadcast_in_dim3A_459 : vector<16xi32>
    %broadcast_in_dim3A_473 = arith.constant 0 : i32
    %broadcast_in_dim3A_474 = vector.broadcast %broadcast_in_dim3A_473 : i32 to vector<16xi32>
    %min3A_475 = arith.minsi %and3A_468, %and3A_378 : vector<16xi32>
    %max3A_476 = arith.maxsi %and3A_460, %and3A_370 : vector<16xi32>
    %sub3A_477 = arith.subi %min3A_475, %max3A_476 : vector<16xi32>
    %add3A_478 = arith.constant 1 : i32
    %add3A_479 = vector.broadcast %add3A_478 : i32 to vector<16xi32>
    %add3A_480 = arith.addi %sub3A_477, %add3A_479 : vector<16xi32>
    %max3A_481 = arith.maxsi %add3A_480, %broadcast_in_dim3A_474 : vector<16xi32>
    %min3A_482 = arith.minsi %and3A_472, %and3A_382 : vector<16xi32>
    %max3A_483 = arith.maxsi %and3A_464, %and3A_374 : vector<16xi32>
    %sub3A_484 = arith.subi %min3A_482, %max3A_483 : vector<16xi32>
    %add3A_485 = arith.constant 1 : i32
    %add3A_486 = vector.broadcast %add3A_485 : i32 to vector<16xi32>
    %add3A_487 = arith.addi %sub3A_484, %add3A_486 : vector<16xi32>
    %max3A_488 = arith.maxsi %add3A_487, %broadcast_in_dim3A_474 : vector<16xi32>
    %mul3A_489 = arith.muli %max3A_481, %max3A_488 : vector<16xi32>
    %get3A_490 = arith.constant 11264 : index
    %get3A_491 = tpu.vector_load %arg11[%get3A_490] {strides = array<i32>} : memref<16192xi32, #tpu.memory_space<vmem>>, vector<16xi32>,
    %sub3A_492 = arith.subi %and3A_378, %and3A_370 : vector<16xi32>
    %add3A_493 = arith.constant 1 : i32
    %add3A_494 = vector.broadcast %add3A_493 : i32 to vector<16xi32>
    %add3A_495 = arith.addi %sub3A_492, %add3A_494 : vector<16xi32>
    %sub3A_496 = arith.subi %and3A_382, %and3A_374 : vector<16xi32>
    %add3A_497 = arith.constant 1 : i32
    %add3A_498 = vector.broadcast %add3A_497 : i32 to vector<16xi32>
    %add3A_499 = arith.addi %sub3A_496, %add3A_498 : vector<16xi32>
    %mul3A_500 = arith.muli %add3A_495, %add3A_499 : vector<16xi32>
    %mul3A_501 = arith.constant 4 : i32
    %mul3A_502 = vector.broadcast %mul3A_501 : i32 to vector<16xi32>
    %mul3A_503 = arith.muli %mul3A_489, %mul3A_502 : vector<16xi32>
    %add3A_504 = arith.addi %get3A_491, %mul3A_500 : vector<16xi32>
    %sub3A_505 = arith.subi %add3A_504, %mul3A_489 : vector<16xi32>
    %le3A_506 = arith.cmpi sle, %mul3A_503, %sub3A_505 : vector<16xi32>
    %not3A_507 = arith.constant dense<true> : vector<16xi1>
    %not3A_508 = arith.xori %lt3A_29, %not3A_507 : vector<16xi1>
    %or3A_509 = arith.ori %le3A_506, %not3A_508 : vector<16xi1>
    %select_n3A_510 = arith.select %or3A_509, %get3A_455, %broadcast_in_dim3A_7 : vector<16xi1>, vector<16xf32>
    %swap3A_511 = arith.constant 3168 : index
    %swap3A_512 = tpu.vector_load %arg10[%swap3A_511] {strides = array<i32>} : memref<4048xf32, #tpu.memory_space<vmem>>, vector<16xf32>,
    tpu.vector_store %arg10[%swap3A_511], %select_n3A_510 {strides = array<i32>} : memref<4048xf32, #tpu.memory_space<vmem>>, vector<16xf32>,
    %select_n3A_513 = arith.select %lt3A_29, %select_n3A_510, %broadcast_in_dim3A_7 : vector<16xi1>, vector<16xf32>
    %gt3A_514 = arith.cmpf ogt, %select_n3A_513, %parallel_loop3A_453#0 : vector<16xf32>
    %select_n3A_515 = arith.select %gt3A_514, %select_n3A_513, %parallel_loop3A_453#0 : vector<16xi1>, vector<16xf32>
    %broadcast_in_dim3A_516 = arith.constant 198 : i32
    %broadcast_in_dim3A_517 = vector.broadcast %broadcast_in_dim3A_516 : i32 to vector<16xi32>
    %select_n3A_518 = arith.select %gt3A_514, %broadcast_in_dim3A_517, %parallel_loop3A_453#1 : vector<16xi1>, vector<16xi32>
    %reduce_max3A_519 = arith.constant true
    %reduce_max3A_520 = vector.broadcast %reduce_max3A_519 : i1 to vector<16xi1>
    %reduce_max3A_521 = tpu.scan <max>, %select_n3A_515 masked %reduce_max3A_520 : vector<16xf32>, vector<16xi1> -> vector<16xf32>
    %reduce_max3A_522 = vector.extract %reduce_max3A_521[15] : f32 from vector<16xf32>
    %eq3A_523 = vector.broadcast %reduce_max3A_522 : f32 to vector<16xf32>
    %eq3A_524 = arith.cmpf oeq, %select_n3A_515, %eq3A_523 : vector<16xf32>
    %mul3A_525 = arith.constant 16 : i32
    %mul3A_526 = vector.broadcast %mul3A_525 : i32 to vector<16xi32>
    %mul3A_527 = arith.muli %select_n3A_518, %mul3A_526 : vector<16xi32>
    %add3A_528 = arith.addi %mul3A_527, %iota3A : vector<16xi32>
    %select_n3A_529 = arith.select %eq3A_524, %add3A_528, %broadcast_in_dim3A_9 : vector<16xi1>, vector<16xi32>
    %reduce_min3A_530 = arith.constant true
    %reduce_min3A_531 = vector.broadcast %reduce_min3A_530 : i1 to vector<16xi1>
    %reduce_min3A_532 = arith.constant -2147483648 : i32
    %reduce_min3A_533 = vector.broadcast %reduce_min3A_532 : i32 to vector<16xi32>
    %reduce_min3A_534 = arith.xori %select_n3A_529, %reduce_min3A_533 : vector<16xi32>
    %reduce_min3A_535 = tpu.scan <min>, %reduce_min3A_534 masked %reduce_min3A_531 : vector<16xi32>, vector<16xi1> -> vector<16xi32>
    %reduce_min3A_536 = arith.xori %reduce_min3A_535, %reduce_min3A_533 : vector<16xi32>
    %reduce_min3A_537 = vector.extract %reduce_min3A_536[15] : i32 from vector<16xi32>
    %gt3A_538 = arith.constant 0xFF800000 : f32
    %gt3A_539 = arith.cmpf ogt, %reduce_max3A_522, %gt3A_538 : f32
    %select_n3A_540 = arith.select %gt3A_539, %reduce_min3A_537, %reduce_min3A_352 : i32
    %broadcast_in_dim3A_541 = vector.broadcast %select_n3A_540 : i32 to vector<16xi32>
    %gather3A_542 = tpu.vector_load_idx %arg9[%broadcast_in_dim3A_541] : memref<4048xf32, #tpu.memory_space<vmem>>[vector<16xi32>], vector<16xf32>,
    %eq3A_543 = arith.constant 4 : i32
    %eq3A_544 = vector.broadcast %eq3A_543 : i32 to vector<16xi32>
    %eq3A_545 = arith.cmpi eq, %iota3A, %eq3A_544 : vector<16xi32>
    %select_n3A_546 = arith.select %eq3A_545, %broadcast_in_dim3A_541, %select_n3A_363 : vector<16xi1>, vector<16xi32>
    %eq3A_547 = arith.constant 10 : i32
    %eq3A_548 = vector.broadcast %eq3A_547 : i32 to vector<16xi32>
    %eq3A_549 = arith.cmpi eq, %iota3A, %eq3A_548 : vector<16xi32>
    %bitcast3A_550 = vector.bitcast %gather3A_542 : vector<16xf32> to vector<16xi32>
    %select_n3A_551 = arith.select %eq3A_549, %bitcast3A_550, %select_n3A_546 : vector<16xi1>, vector<16xi32>
    %not3A_552 = arith.constant dense<true> : vector<16xi1>
    %not3A_553 = arith.xori %lt3A_29, %not3A_552 : vector<16xi1>
    %get3A_554 = arith.constant 3168 : index
    %get3A_555 = tpu.vector_load %arg10[%get3A_554] {strides = array<i32>} : memref<4048xf32, #tpu.memory_space<vmem>>, vector<16xf32>,
    %select_n3A_556 = arith.select %not3A_553, %get3A_555, %broadcast_in_dim3A_7 : vector<16xi1>, vector<16xf32>
    %gt3A_557 = arith.cmpf ogt, %select_n3A_556, %broadcast_in_dim3A_7 : vector<16xf32>
    %select_n3A_558 = arith.select %gt3A_557, %select_n3A_556, %broadcast_in_dim3A_7 : vector<16xi1>, vector<16xf32>
    %broadcast_in_dim3A_559 = arith.constant 198 : i32
    %broadcast_in_dim3A_560 = vector.broadcast %broadcast_in_dim3A_559 : i32 to vector<16xi32>
    %select_n3A_561 = arith.select %gt3A_557, %broadcast_in_dim3A_560, %broadcast_in_dim3A_5 : vector<16xi1>, vector<16xi32>
    %scan3A_562 = arith.constant 199 : i32
    %scan3A_563 = arith.constant 54 : i32
    %scan3A_564 = arith.addi %scan3A_562, %scan3A_563 : i32
    %scan3A_565 = arith.constant 2 : i32
    %scan3A_566:2 = scf.for %scan3A_600 = %scan3A_562 to %scan3A_564 step %scan3A_565 iter_args(%scan3A_601 = %select_n3A_558, %scan3A_602 = %select_n3A_561) -> (vector<16xf32>, vector<16xi32>)  : i32 {
      %mul3A_603 = arith.constant 16 : i32
      %mul3A_604 = arith.muli %scan3A_600, %mul3A_603 : i32
      %get3A_605 = arith.index_cast %mul3A_604 : i32 to index
      %get3A_606 = tpu.vector_load %arg10[%get3A_605] {strides = array<i32>} : memref<4048xf32, #tpu.memory_space<vmem>>, vector<16xf32>,
      %gt3A_607 = arith.cmpf ogt, %get3A_606, %scan3A_601 : vector<16xf32>
      %select_n3A_608 = arith.select %gt3A_607, %get3A_606, %scan3A_601 : vector<16xi1>, vector<16xf32>
      %broadcast_in_dim3A_609 = vector.broadcast %scan3A_600 : i32 to vector<16xi32>
      %select_n3A_610 = arith.select %gt3A_607, %broadcast_in_dim3A_609, %scan3A_602 : vector<16xi1>, vector<16xi32>
      %scan3A_611 = arith.constant 1 : i32
      %scan3A_612 = arith.addi %scan3A_600, %scan3A_611 : i32
      %mul3A_613 = arith.constant 16 : i32
      %mul3A_614 = arith.muli %scan3A_612, %mul3A_613 : i32
      %get3A_615 = arith.index_cast %mul3A_614 : i32 to index
      %get3A_616 = tpu.vector_load %arg10[%get3A_615] {strides = array<i32>} : memref<4048xf32, #tpu.memory_space<vmem>>, vector<16xf32>,
      %gt3A_617 = arith.cmpf ogt, %get3A_616, %select_n3A_608 : vector<16xf32>
      %select_n3A_618 = arith.select %gt3A_617, %get3A_616, %select_n3A_608 : vector<16xi1>, vector<16xf32>
      %broadcast_in_dim3A_619 = vector.broadcast %scan3A_612 : i32 to vector<16xi32>
      %select_n3A_620 = arith.select %gt3A_617, %broadcast_in_dim3A_619, %select_n3A_610 : vector<16xi1>, vector<16xi32>
      scf.yield %select_n3A_618, %select_n3A_620 : vector<16xf32>, vector<16xi32>
    }
    %scan3A_567 = arith.constant 54 : i32
    %reduce_max3A_568 = arith.constant true
    %reduce_max3A_569 = vector.broadcast %reduce_max3A_568 : i1 to vector<16xi1>
    %reduce_max3A_570 = tpu.scan <max>, %scan3A_566#0 masked %reduce_max3A_569 : vector<16xf32>, vector<16xi1> -> vector<16xf32>
    %reduce_max3A_571 = vector.extract %reduce_max3A_570[15] : f32 from vector<16xf32>
    %eq3A_572 = vector.broadcast %reduce_max3A_571 : f32 to vector<16xf32>
    %eq3A_573 = arith.cmpf oeq, %scan3A_566#0, %eq3A_572 : vector<16xf32>
    %mul3A_574 = arith.constant 16 : i32
    %mul3A_575 = vector.broadcast %mul3A_574 : i32 to vector<16xi32>
    %mul3A_576 = arith.muli %scan3A_566#1, %mul3A_575 : vector<16xi32>
    %add3A_577 = arith.addi %mul3A_576, %iota3A : vector<16xi32>
    %select_n3A_578 = arith.select %eq3A_573, %add3A_577, %broadcast_in_dim3A_9 : vector<16xi1>, vector<16xi32>
    %reduce_min3A_579 = arith.constant true
    %reduce_min3A_580 = vector.broadcast %reduce_min3A_579 : i1 to vector<16xi1>
    %reduce_min3A_581 = arith.constant -2147483648 : i32
    %reduce_min3A_582 = vector.broadcast %reduce_min3A_581 : i32 to vector<16xi32>
    %reduce_min3A_583 = arith.xori %select_n3A_578, %reduce_min3A_582 : vector<16xi32>
    %reduce_min3A_584 = tpu.scan <min>, %reduce_min3A_583 masked %reduce_min3A_580 : vector<16xi32>, vector<16xi1> -> vector<16xi32>
    %reduce_min3A_585 = arith.xori %reduce_min3A_584, %reduce_min3A_582 : vector<16xi32>
    %reduce_min3A_586 = vector.extract %reduce_min3A_585[15] : i32 from vector<16xi32>
    %broadcast_in_dim3A_587 = vector.broadcast %reduce_min3A_586 : i32 to vector<16xi32>
    %gather3A_588 = tpu.vector_load_idx %arg9[%broadcast_in_dim3A_587] : memref<4048xf32, #tpu.memory_space<vmem>>[vector<16xi32>], vector<16xf32>,
    %eq3A_589 = arith.constant 5 : i32
    %eq3A_590 = vector.broadcast %eq3A_589 : i32 to vector<16xi32>
    %eq3A_591 = arith.cmpi eq, %iota3A, %eq3A_590 : vector<16xi32>
    %select_n3A_592 = arith.select %eq3A_591, %broadcast_in_dim3A_587, %select_n3A_551 : vector<16xi1>, vector<16xi32>
    %eq3A_593 = arith.constant 11 : i32
    %eq3A_594 = vector.broadcast %eq3A_593 : i32 to vector<16xi32>
    %eq3A_595 = arith.cmpi eq, %iota3A, %eq3A_594 : vector<16xi32>
    %bitcast3A_596 = vector.bitcast %gather3A_588 : vector<16xf32> to vector<16xi32>
    %select_n3A_597 = arith.select %eq3A_595, %bitcast3A_596, %select_n3A_592 : vector<16xi1>, vector<16xi32>
    %swap3A_598 = arith.constant 0 : index
    %swap3A_599 = tpu.vector_load %arg12[%swap3A_598] {strides = array<i32>} : memref<16xi32, #tpu.memory_space<vmem>>, vector<16xi32>,
    tpu.vector_store %arg12[%swap3A_598], %select_n3A_597 {strides = array<i32>} : memref<16xi32, #tpu.memory_space<vmem>>, vector<16xi32>,
    "tpu.region"() ({
      %run_scoped3A = tpu.sem_alloc : memref<!tpu.dma_semaphore, #tpu.memory_space<semaphore_mem>>
      %dma_start3A = arith.constant 0 : i32
      %dma_start3A_600 = tpu.memref_slice %arg9[%dma_start3A] : memref<4048xf32, #tpu.memory_space<vmem>> -> memref<4041xf32, #tpu.memory_space<vmem>>
      %dma_start3A_601 = arith.constant 0 : i32
      %dma_start3A_602 = tpu.memref_slice %arg4[%add3A, %dma_start3A_601] : memref<32x4041xf32, #tpu.memory_space<hbm>> -> memref<1x4041xf32, #tpu.memory_space<hbm>>
      %dma_start3A_603 = tpu.memref_squeeze %dma_start3A_602 : memref<1x4041xf32, #tpu.memory_space<hbm>> -> memref<4041xf32, #tpu.memory_space<hbm>>
      %dma_start3A_604 = arith.constant 0 : i32
      %dma_start3A_605 = tpu.memref_slice %arg4[%add3A, %dma_start3A_604] : memref<32x4041xf32, #tpu.memory_space<hbm>> -> memref<1x4041xf32, #tpu.memory_space<hbm>>
      %dma_start3A_606 = tpu.memref_squeeze %dma_start3A_605 : memref<1x4041xf32, #tpu.memory_space<hbm>> -> memref<4041xf32, #tpu.memory_space<hbm>>
      %dma_start3A_607 = arith.constant 0 : i32
      %dma_start3A_608 = tpu.memref_slice %arg9[%dma_start3A_607] : memref<4048xf32, #tpu.memory_space<vmem>> -> memref<4041xf32, #tpu.memory_space<vmem>>
      tpu.enqueue_dma source(%dma_start3A_608 : memref<4041xf32, #tpu.memory_space<vmem>>) target(%dma_start3A_606 : memref<4041xf32, #tpu.memory_space<hbm>>) target_semaphore(%run_scoped3A : memref<!tpu.dma_semaphore, #tpu.memory_space<semaphore_mem>>)
      %dma_wait3A = arith.constant 0 : i32
      %dma_wait3A_609 = tpu.memref_slice %arg9[%dma_wait3A] : memref<4048xf32, #tpu.memory_space<vmem>> -> memref<4041xf32, #tpu.memory_space<vmem>>
      %dma_wait3A_610 = arith.constant 0 : i32
      %dma_wait3A_611 = tpu.memref_slice %arg4[%add3A, %dma_wait3A_610] : memref<32x4041xf32, #tpu.memory_space<hbm>> -> memref<1x4041xf32, #tpu.memory_space<hbm>>
      %dma_wait3A_612 = tpu.memref_squeeze %dma_wait3A_611 : memref<1x4041xf32, #tpu.memory_space<hbm>> -> memref<4041xf32, #tpu.memory_space<hbm>>
      %dma_wait3A_613 = arith.constant 0 : i32
      %dma_wait3A_614 = tpu.memref_slice %arg4[%add3A, %dma_wait3A_613] : memref<32x4041xf32, #tpu.memory_space<hbm>> -> memref<1x4041xf32, #tpu.memory_space<hbm>>
      %dma_wait3A_615 = tpu.memref_squeeze %dma_wait3A_614 : memref<1x4041xf32, #tpu.memory_space<hbm>> -> memref<4041xf32, #tpu.memory_space<hbm>>
      %dma_wait3A_616 = arith.constant 0 : i32
      %dma_wait3A_617 = tpu.memref_slice %arg9[%dma_wait3A_616] : memref<4048xf32, #tpu.memory_space<vmem>> -> memref<4041xf32, #tpu.memory_space<vmem>>
      tpu.wait_dma2 semaphore(%run_scoped3A : memref<!tpu.dma_semaphore, #tpu.memory_space<semaphore_mem>>) src(%dma_wait3A_617 : memref<4041xf32, #tpu.memory_space<vmem>>) dst(%dma_wait3A_615 : memref<4041xf32, #tpu.memory_space<hbm>>)
      tpu.yield
    }) : () -> ()
    "tpu.region"() ({
      %run_scoped3A = tpu.sem_alloc : memref<!tpu.dma_semaphore, #tpu.memory_space<semaphore_mem>>
      %dma_start3A = arith.constant 0 : i32
      %dma_start3A_600 = tpu.memref_slice %arg5[%add3A, %dma_start3A] : memref<32x16xi32, #tpu.memory_space<hbm>> -> memref<1x16xi32, #tpu.memory_space<hbm>>
      %dma_start3A_601 = tpu.memref_squeeze %dma_start3A_600 : memref<1x16xi32, #tpu.memory_space<hbm>> -> memref<16xi32, #tpu.memory_space<hbm>>
      %dma_start3A_602 = arith.constant 0 : i32
      %dma_start3A_603 = tpu.memref_slice %arg5[%add3A, %dma_start3A_602] : memref<32x16xi32, #tpu.memory_space<hbm>> -> memref<1x16xi32, #tpu.memory_space<hbm>>
      %dma_start3A_604 = tpu.memref_squeeze %dma_start3A_603 : memref<1x16xi32, #tpu.memory_space<hbm>> -> memref<16xi32, #tpu.memory_space<hbm>>
      tpu.enqueue_dma source(%arg12 : memref<16xi32, #tpu.memory_space<vmem>>) target(%dma_start3A_604 : memref<16xi32, #tpu.memory_space<hbm>>) target_semaphore(%run_scoped3A : memref<!tpu.dma_semaphore, #tpu.memory_space<semaphore_mem>>)
      %dma_wait3A = arith.constant 0 : i32
      %dma_wait3A_605 = tpu.memref_slice %arg5[%add3A, %dma_wait3A] : memref<32x16xi32, #tpu.memory_space<hbm>> -> memref<1x16xi32, #tpu.memory_space<hbm>>
      %dma_wait3A_606 = tpu.memref_squeeze %dma_wait3A_605 : memref<1x16xi32, #tpu.memory_space<hbm>> -> memref<16xi32, #tpu.memory_space<hbm>>
      %dma_wait3A_607 = arith.constant 0 : i32
      %dma_wait3A_608 = tpu.memref_slice %arg5[%add3A, %dma_wait3A_607] : memref<32x16xi32, #tpu.memory_space<hbm>> -> memref<1x16xi32, #tpu.memory_space<hbm>>
      %dma_wait3A_609 = tpu.memref_squeeze %dma_wait3A_608 : memref<1x16xi32, #tpu.memory_space<hbm>> -> memref<16xi32, #tpu.memory_space<hbm>>
      tpu.wait_dma2 semaphore(%run_scoped3A : memref<!tpu.dma_semaphore, #tpu.memory_space<semaphore_mem>>) src(%arg12 : memref<16xi32, #tpu.memory_space<vmem>>) dst(%dma_wait3A_609 : memref<16xi32, #tpu.memory_space<hbm>>)
      tpu.yield
    }) : () -> ()
    return
  }
}

</mosaic_0001>

<sc_bundles>
// kernel: _launch.3.cloned.1.call-start
scs
__scs_entry_jumppad:
0x0: {  	(pc) =	sbr.rel $0x88, $3  }
0x1: {  	(tag) =	ssettag $0x0;
	lr =	simm.s32 $0x1  }
0x2: {  	[smem:$0x3FA0] =	sst lr;
	_ =	strace $0xD0000000  }
0x3: {  	_ = 	snop  }
0x4: {  	_ = 	snop  }
0x5: {  	_ = 	snop  }
0x6: {  	_ = 	snop  }
0x7: {  	_ = 	snop  }
__scs_overlays_trampoline_lowered:
0x8: {  	[smem:$0x3FAF] =	sst s0  }
0x9: {  	[smem:$0x3FB0] =	sst s1  }
0xa: {  	[smem:$0x3FB1] =	sst s2  }
0xb: {  	[smem:$0x3FB2] =	sst s3  }
0xc: {  	[smem:$0x3FB3] =	sst s4  }
0xd: {  	[smem:$0x3FB4] =	sst s5  }
0xe: {  	[smem:$0x3FB5] =	sst s6  }
0xf: {  	[smem:$0x3FB6] =	sst s7  }
0x10: {  	[smem:$0x3FB7] =	sst s8  }
0x11: {  	[smem:$0x3FB8] =	sst s9;
	s0 =	simm.s32 @!p0 $0x0  }
0x12: {  	s1 =	sld [smem:$0x3F9E];
	s0 =	simm.s32 @p0 $0x1  }
0x13: {  	[smem:$0x3FB9] =	sst s0;
	s0 =	simm.s32 @!p1 $0x0  }
0x14: {  	s2 =	sld [smem:$0x3F9D];
	s0 =	simm.s32 @p1 $0x1  }
0x15: {  	[smem:$0x3FBA] =	sst s0;
	s0 =	simm.s32 @!p2 $0x0  }
0x16: {  	s3 =	sld [smem:$0x3FDB];
	s0 =	simm.s32 @p2 $0x1  }
0x17: {  	s4 =	simm.s32 $0x1BF5;
	[smem:$0x3FBC] =	sst s0  }
0x18: {  	s0 =	sld [smem:$0x3F9F];
	_ =	swait.ge [sflag:s4], $0x0  }
0x19: {  	s7 =	sld [smem:$0x3FA0]  }
0x1a: {  	s8 =	sadd.s32 $0xFFFFE003, lr  }
0x1b: {  	s9 =	sadd.s32 $0xFFFFFEF7, lr;
	s5 =	simm.s32 $0xFFFFFFFF;
	p2 =	slt.u32 s8, $0xFFFFF086  }
0x1c: {  	p1 =	slt.u32 s9, $0xF7A;
	s5 =	simm.s32 @!p2 $0x0  }
0x1d: {  	s5 =	simm.s32 @p1 $0x1;
	p0 =	seq.s32 s7, s2  }
0x1e: {  	s7 =	smul.u32 @!p0 $0xF7A, s2;
	p2 =	seq.s32 @!p0 s5, $0x0  }
0x1f: {  	s9 =	smul.u32 $0xF7A, s1;
	s8 =	simm.s32 @!p0 $0x1BF5;
	p2 =	por !p2, p0  }
0x20: {  	[sflag:s8] =	ssyncset.s32 @!p0 $0xFFFFF086;
	s6 =	sadd.s32 @!p0 s3, s7;
	s7 =	simm.s32 @!p0 $0x108  }
0x21: {  	s3 =	sadd.s32 s3, s9;
	s6 =	sadd.s32 @!p0 $0x88, s6;
	s7 =	simm.s32 @p2 $0x1082  }
0x22: {  	[simem:s7], [sflag:s8] =	dma.local @!p0 [hbm:s6], $0xF7A  }
0x23: {  	s9 =	sor.u32 $0xD0000000, s2;
	s6 =	simm.s32 $0x108;
	_ =	swait.ge @!p0 [sflag:s8], $0x0  }
0x24: {  	s3 =	sadd.s32 $0x88, s3;
	s6 =	simm.s32 @!p1 $0x1082;
	[sflag:s4] =	ssyncset.s32 $0xFFFFF086  }
0x25: {  	[simem:s6], [sflag:s4] =	dma.local [hbm:s3], $0xF7A  }
0x26: {  	[smem:$0x3FA0] =	sst s1;
	(tag) =	ssettag s2;
	_ =	strace s9  }
0x27: {  	s1 =	sld [smem:$0x3FB0]  }
0x28: {  	s2 =	sld [smem:$0x3FB1]  }
0x29: {  	s4 =	sld [smem:$0x3FB3]  }
0x2a: {  	p0 =	seq.s32 s5, $0x0;
	s5 =	sld [smem:$0x3FB4]  }
0x2b: {  	s6 =	sld [smem:$0x3FB5]  }
0x2c: {  	s7 =	sld [smem:$0x3FB6]  }
0x2d: {  	s3 =	simm.s32 $0x108;
	s8 =	sld [smem:$0x3FB7]  }
0x2e: {  	s3 =	simm.s32 @!p0 $0x1082;
	s9 =	sld [smem:$0x3FB8]  }
0x2f: {  	lr =	sadd.s32 s0, s3;
	s0 =	sld [smem:$0x3FAF]  }
0x30: {  	s3 =	sld [smem:$0x3FB2]  }
0x31: {  	[smem:$0x3FBB] =	sst s10  }
0x32: {  	s10 =	sld [smem:$0x3FB9];
	_ =	sdelay $0x3  }
0x33: {  	p0 =	seq.s32 s10, $0x1;
	s10 =	sld [smem:$0x3FBB];
	_ =	sdelay $0x3  }
0x34: {  	[smem:$0x3FBB] =	sst s10  }
0x35: {  	s10 =	sld [smem:$0x3FBA];
	_ =	sdelay $0x3  }
0x36: {  	p1 =	seq.s32 s10, $0x1;
	s10 =	sld [smem:$0x3FBB];
	_ =	sdelay $0x3  }
0x37: {  	[smem:$0x3FBB] =	sst s10  }
0x38: {  	s10 =	sld [smem:$0x3FBC]  }
0x39: {  	_ = 	snop;
	(pc) =	sbr.ind lr, $3  }
0x3a: {  	_ = 	snop  }
0x3b: {  	_ = 	snop  }
0x3c: {  	p2 =	seq.s32 s10, $0x1;
	s10 =	sld [smem:$0x3FBB]  }
0x3d: {  	_ =	shalt  }
0x3e: {  	_ =	shalt  }
0x3f: {  	_ =	shalt  }
0x40: {  	_ =	shalt  }
0x41: {  	_ =	shalt  }
0x42: {  	_ =	shalt  }
0x43: {  	_ =	shalt  }
0x44: {  	_ =	shalt  }
0x45: {  	_ =	shalt  }
0x46: {  	_ =	shalt  }
0x47: {  	_ =	shalt  }
0x48: {  	_ =	shalt  }
0x49: {  	_ =	shalt  }
0x4a: {  	_ =	shalt  }
0x4b: {  	_ =	shalt  }
0x4c: {  	_ =	shalt  }
0x4d: {  	_ =	shalt  }
0x4e: {  	_ =	shalt  }
0x4f: {  	_ =	shalt  }
0x50: {  	_ =	shalt  }
0x51: {  	_ =	shalt  }
0x52: {  	_ =	shalt  }
0x53: {  	_ =	shalt  }
0x54: {  	_ =	shalt  }
0x55: {  	_ =	shalt  }
0x56: {  	_ =	shalt  }
0x57: {  	_ =	shalt  }
0x58: {  	_ =	shalt  }
0x59: {  	_ =	shalt  }
0x5a: {  	_ =	shalt  }
0x5b: {  	_ =	shalt  }
0x5c: {  	_ =	shalt  }
0x5d: {  	_ =	shalt  }
0x5e: {  	_ =	shalt  }
0x5f: {  	_ =	shalt  }
0x60: {  	_ =	shalt  }
0x61: {  	_ =	shalt  }
0x62: {  	_ =	shalt  }
0x63: {  	_ =	shalt  }
0x64: {  	_ =	shalt  }
0x65: {  	_ =	shalt  }
0x66: {  	_ =	shalt  }
0x67: {  	_ =	shalt  }
0x68: {  	_ =	shalt  }
0x69: {  	_ =	shalt  }
0x6a: {  	_ =	shalt  }
0x6b: {  	_ =	shalt  }
0x6c: {  	_ =	shalt  }
0x6d: {  	_ =	shalt  }
0x6e: {  	_ =	shalt  }
0x6f: {  	_ =	shalt  }
0x70: {  	_ =	shalt  }
0x71: {  	_ =	shalt  }
0x72: {  	_ =	shalt  }
0x73: {  	_ =	shalt  }
0x74: {  	_ =	shalt  }
0x75: {  	_ =	shalt  }
0x76: {  	_ =	shalt  }
0x77: {  	_ =	shalt  }
0x78: {  	_ =	shalt  }
0x79: {  	_ =	shalt  }
0x7a: {  	_ =	shalt  }
0x7b: {  	_ =	shalt  }
0x7c: {  	_ =	shalt  }
0x7d: {  	_ =	shalt  }
0x7e: {  	_ =	shalt  }
0x7f: {  	_ =	shalt  }
0x80: {  	_ =	shalt  }
0x81: {  	_ =	shalt  }
0x82: {  	_ =	shalt  }
0x83: {  	_ =	shalt  }
0x84: {  	_ =	shalt  }
0x85: {  	_ =	shalt  }
0x86: {  	_ =	shalt  }
0x87: {  	_ =	shalt  }
.Lfunc_end0:
.L_simem_size_0:
called_computation_lowered:
.L_overlay_start_0:
0x88: {  	s2 =	sld [smem:$0x3FD9]  }
0x89: {  	s3 =	sld [smem:$0x3FFE];
	_ =	sdelay $0x1  }
0x8a: {  	s1 =	srdreg.scid  }
0x8b: {  	s0 =	sand.u32 $0x1, s1  }
0x8c: {  	s14 =	sshll.u32 s0, $0xA;
	s2 =	sadd.s32 s3, s2  }
0x8d: {  	s2 =	sadd.s32 s2, s14  }
0x8e: {  	[smem:$0x3FC7] =	sst s2  }
0x8f: {  	_ = 	snop  }
0x90: {  	s2 =	sld [smem:$0x3FD0];
	_ =	sdelay $0x2  }
0x91: {  	s4 =	simm.s32 $0xA;
	s5 =	simm.s32 $0x10;
	s15 =	sld [smem:$0x3FC9]  }
0x92: {  	[smem:s5], [sflag:s4] =	dma.local [hbm:s2], $0x1  }
0x93: {  	_ =	swait.eq [sflag:s4], $0x1  }
0x94: {  	[sflag:s4] =	ssyncset.done $0x0  }
0x95: {  	s16 =	sld [smem:$0x10];
	[sflag:s4] =	ssyncadd.s32 $0xFFFFFFFF  }
0x96: {  	s17 =	sld [smem:$0x11];
	(tm) =	ssettm $0x1  }
0x97: {  	s18 =	sld [smem:$0x3FFB];
	_ =	sdelay $0x3  }
0x98: {  	_ =	strace s18  }
0x99: {  	s5 =	sld [smem:$0x3FFC];
	_ =	sdelay $0x3  }
0x9a: {  	_ =	strace s5  }
0x9b: {  	s5 =	sld [smem:$0x3FFD];
	_ =	sdelay $0x3  }
0x9c: {  	_ =	strace s5  }
0x9d: {  	_ =	strace $0x8FFFFFFF  }
0x9e: {  	s19 =	sld [smem:$0x3FDB];
	_ =	sdelay $0x1  }
0x9f: {  	s6 =	simm.s32 $_scs_section_size  }
0xa0: {  	s7 =	simm.s32 $_size__tile_overlayer_lowered;
	s8 =	simm.s32 $_tile_overlayer_lowered  }
0xa1: {  	s22 =	simm.s32 $0x1BFF;
	s21 =	sshll.u32 s8, $0x1;
	s5 =	sadd.s32 s6, s19  }
0xa2: {  	s9 =	simm.s32 $0x0;
	s20 =	sshll.u32 s7, $0x1;
	s7 =	sadd.s32 s21, s5  }
0xa3: {  	[timem:s9], [sflag:s22] =	dma.local [hbm:s7], s20  }
0xa4: {  	_ =	swait.ge [sflag:s22], s20  }
0xa5: {  	s6 =	ssub.s32 $0x0, s20;
	[sflag:s22] =	ssyncset.done $0x0  }
0xa6: {  	[sflag:s22] =	ssyncadd.s32 s6;
	_ =	sdelay $0x1  }
0xa7: {  	s23 =	simm.s32 $0x1B8B  }
0xa8: {  	_ =	swait.ge [sflag:s23], $0x1  }
0xa9: {  	[sflag:s23] =	ssyncset.done $0x0  }
0xaa: {  	s25 =	simm.s32 $0x1B8E;
	s24 =	sld [smem:$0x3FFE];
	[sflag:s23] =	ssyncadd.s32 $0xFFFFFFFF  }
0xab: {  	s26 =	simm.s32 $execute0_lowered;
	[smem:$0x3FD2] =	sst s25  }
0xac: {  	s7 =	sshll.u32 s26, $0x1;
	_ =	strace $0x80000046;
	[dreg:$0x1] =	wrdreg $0xFFFFFFFF  }
0xad: {  	s28 =	simm.s32 $_size_execute0_lowered;
	s5 =	sadd.s32 s5, s7;
	[dreg:$0x0] =	wrdreg $0x0  }
0xae: {  	s7 =	sshll.u32 s28, $0x1;
	[dreg:$0x2] =	wrdreg s5  }
0xaf: {  	[dreg:$0x3] =	wrdreg s7  }
0xb0: {  	[dreg:$0x4] =	wrdreg $0xC0  }
0xb1: {  	_ =	task [dreg:s9], $0x5FFFF  }
0xb2: {  	[dreg:$0x1] =	wrdreg $0xFFFFFFFF  }
0xb3: {  	[dreg:$0x0] =	wrdreg $0x60  }
0xb4: {  	[dreg:$0x2] =	wrdreg s15  }
0xb5: {  	[dreg:$0x3] =	wrdreg s16  }
0xb6: {  	[dreg:$0x4] =	wrdreg s24  }
0xb7: {  	[dreg:$0x5] =	wrdreg s17  }
0xb8: {  	[dreg:$0x6] =	wrdreg $0x9  }
0xb9: {  	_ =	task.clear_ibuf [dreg:s9], $0x7FFFF;
	_ =	strace $0x90000046  }
0xba: {  	s29 =	simm.s32 $0x9;
	_ =	strace $0x80000048  }
0xbb: {  	_ =	swait.ge [sflag:s29], $0x1  }
0xbc: {  	[sflag:s29] =	ssyncadd.s32 $0xFFFFFFFF  }
0xbd: {  	_ =	strace $0x90000048  }
0xbe: {  	_ =	sfence  }
0xbf: {  	s30 =	sld [smem:$0x0];
	_ =	sdelay $0x2  }
0xc0: {  	s31 =	sshll.u32 s1, $0xD;
	s1 =	sshrl.u32 s1, $0x2  }
0xc1: {  	s3 =	sand.u32 $0x4000, s31;
	s1 =	sadd.s32 s1, s30  }
0xc2: {  	s0 =	sor.u32 s3, s0;
	s1 =	sshll.u32 s1, $0x11  }
0xc3: {  	s0 =	sor.u32 s1, s0  }
0xc4: {  	s0 =	sadd.s32 $0x8F2B, s0  }
0xc5: {  	[sflag:s0] =	ssyncadd.remote.s32 $0x1  }
0xc6: {  	_ =	sfence.sel $0xFFFF  }
0xc7: {  	[dreg:$0x0] =	wrdreg $0xFFFFFFFF;
	(pc) =	sbr.abs _section_cstart, $3  }
0xc8: {  	[dreg:$0x1] =	wrdreg $0xFFFFFFFF  }
0xc9: {  	_ =	task.clear_ibuf [dreg:s9], $0x2FFFF;
	_ =	strace $0x9FFFFFFF  }
0xca: {  	(tm) =	ssettm $0x7FFFFFFF  }
0xcb: {  	_ =	shalt  }
tec
execute0_lowered:
.L_overlay_start_1:
0x0: {  	(tag) =	ssettag $0x1  }
0x1: {  	s4 =	rddreg [dreg:$0x0]  }
0x2: {  	s0 =	rddreg [dreg:$0x1]  }
0x3: {  	s5 =	rddreg [dreg:$0x2]  }
0x4: {  	s7 =	rddreg [dreg:$0x3]  }
0x5: {  	s1 =	srdreg.scid;
	s2 =	rddreg [dreg:$0x4];
	s3 =	simm.s32 $0x0  }
0x6: {  	s11 =	simm.s32 $0x800;
	s12 =	simm.s32 $0xE30;
	s13 =	simm.s32 $0x6D10  }
0x7: {  	v0 =	vlaneseq.u32;
	s14 =	simm.s32 $0x0;
	s6 =	sand.u32 $0x1, s1;
	s1 =	stileid.u32  }
0x8: {  	v1 =	vimm.f32 $0.0e+00;
	vm0 =	vmmov $0x1ff;
	vm1 =	vmmov $0x7ff;
	[smem:$0x7FF] =	sst s3;
	s8 =	sshll.u32 s6, $0x4;
	s6 =	ssub.s32 $0x2, s6  }
0x9: {  	vm2 =	vcmask $0x3F2C;
	v5 =	vimm.s32 $0x0;
	vm7 =	vcmask $0x730;
	_ =	strace $0x80000047;
	s8 =	sor.u32 s1, s8;
	s10 =	sshrl.u32 s6, $0x1  }
0xa: {  	vm8 =	vcmask $0x1F18;
	vm9 =	vcmask $0xB30;
	vm10 =	vcmask $0x2318;
	s9 =	smul.u32 $0x1FA, s8;
	s29 =	ssub.s32 s6, s10;
	s30 =	sshll.u32 s8, $0x7  }
0xb: {  	vm11 =	vcmask $0xF30;
	vm4 =	vcmask $0x1330;
	v2 =	vmul.u32 $0xFFFFFFFF, v0;
	s31 =	sshll.u32 s8, $0x1;
	s8 =	simm.s32 $0x2DD0;
	s10 =	simm.s32 $0x1  }
0xc: {  	vm3 =	vcmask $0x2B18;
	vm13 =	vcmask $0x2718;
	v3 =	vor.u32 $0x80000000, v0;
	s4 =	sadd.s32 s4, s30;
	s6 =	sadd.s32 s7, s31;
	s5 =	sadd.s32 s9, s5  }
0xd: {  	v4 =	vor.u32 $0x80000740, v0;
	vm14 =	vmor vm4, vm3;
	v2 =	vadd.s32 $0xFC9, v2;
	s7 =	smax.u32 s29, $0x1;
	s9 =	simm.s32 $0x2;
	s5 =	sadd.s32 $0xA00, s5  }
.LBB2_1:
0xe: {  	[tilespmem:s8], [sflag:$0x1] =	stream.linear.gather [hbm4b:s0+s3], $0x3F40, $0x38;
	[tilespmem:$0x6D20] =	vst v63  }
0xf: {  	_ = 	snop  }
0x10: {  	[tilespmem:s3], [sflag:$0x2] =	stream.linear.gather [hbm4b:s4+s3], $0x400, $0x38;
	[tilespmem:$0x6D20] =	vst v63  }
0x11: {  	_ =	swait.ge [sflag:s9], $0x400  }
0x12: {  	[sflag:s9] =	ssyncset.done $0x0  }
0x13: {  	[sflag:s9] =	ssyncadd.s32 $0xFFFFFC00  }
0x14: {  	[tilespmem:$0x800] =	vst v1  }
0x15: {  	[tilespmem:$0x810] =	vst v1  }
0x16: {  	s15 =	simm.s32 $0x20;
	[tilespmem:$0x820] =	vst v1  }
0x17: {  	v6 =	vld [tilespmem:s15+$0x10]  }
0x18: {  	v7 =	vld [tilespmem:s15+$0x0];
	_ =	sdelay $0x3  }
0x19: {  	(xrf2) =	vadd.scan.msk.f32 $0xffff, v6  }
0x1a: {  	(xrf2) =	vadd.scan.msk.f32 $0xffff, v7;
	_ =	sdelay $0x2  }
0x1b: {  	v8 =	vld [tilespmem:s15+$0xFFFFFFE0];
	_ =	sdelay $0x1  }
0x1c: {  	v7 =	vld [tilespmem:s15+$0xFFFFFFF0];
	_ =	sdelay $0x1  }
0x1d: {  	s17 =	simm.s32 $0x60  }
0x1e: {  	(xrf2) =	vadd.scan.msk.f32 $0xffff, v8;
	v8 =	vld [tilespmem:s17+$0x10]  }
0x1f: {  	v10, _, _ =	vpop (xrf2)  }
0x20: {  	v6, _, _ =	vpop (xrf2);
	(xrf2) =	vadd.scan.msk.f32 $0xffff, v7  }
0x21: {  	v9 =	vld [tilespmem:s17+$0x0];
	_ =	sdelay $0x1  }
0x22: {  	(xrf2) =	vadd.scan.msk.f32 $0xffff, v8  }
0x23: {  	v11 =	vld [tilespmem:s17+$0xFFFFFFE0]  }
0x24: {  	v12 =	vbroadcast v6, $0xF  }
0x25: {  	(xrf2) =	vadd.scan.msk.f32 $0xffff, v9  }
0x26: {  	v7 =	vld [tilespmem:s17+$0xFFFFFFF0];
	v10 =	vadd.f32 v12, v10  }
0x27: {  	s16 =	simm.s32 $0x0;
	s15 =	simm.s32 $0x420;
	v8, _, _ =	vpop (xrf2)  }
0x28: {  	s18 =	simm.s32 $0x2;
	s19 =	simm.s32 $0xA0;
	s17 =	simm.s32 $0x420;
	v9 =	vbroadcast v8, $0xF;
	(xrf2) =	vadd.scan.msk.f32 $0xffff, v11;
	[tilespmem:s15+$0x10] =	vst v10  }
.LBB2_2:
0x29: {  	v10 =	vld [tilespmem:s19+$0x10];
	[tilespmem:s17+$0xFFFFFFE0] =	vst v8;
	v8, _, _ =	vpop (xrf2)  }
0x2a: {  	v11 =	vld [tilespmem:s19+$0xFFFFFFE0];
	v8 =	vadd.f32 v9, v8;
	[tilespmem:s17+$0x0] =	vst v6  }
0x2b: {  	(xrf2) =	vadd.scan.msk.f32 $0xffff, v7;
	v7 =	vld [tilespmem:s19+$0xFFFFFFF0]  }
0x2c: {  	s18 =	sadd.s32 $0x2, s18;
	v9 =	vld [tilespmem:s19+$0x0];
	v12, _, _ =	vpop (xrf2);
	[tilespmem:s17+$0xFFFFFFF0] =	vst v8  }
0x2d: {  	p0 =	slt.u32 s18, $0x1E  }
0x2e: {  	(xrf2) =	vadd.scan.msk.f32 $0xffff, v10  }
0x2f: {  	v6, _, _ =	vpop (xrf2)  }
.Ltmp0:
0x30: {  	v13 =	vbroadcast v6, $0xF;
	(pc) =	sbr.rel @p0 .LBB2_2-.Ltmp0, $4  }
0x31: {  	(xrf2) =	vadd.scan.msk.f32 $0xffff, v9  }
0x32: {  	v10 =	vadd.f32 v13, v12;
	v8, _, _ =	vpop (xrf2)  }
0x33: {  	s17 =	sadd.s32 $0x40, s17;
	v9 =	vbroadcast v8, $0xF  }
0x34: {  	s19 =	sadd.s32 $0x40, s19;
	(xrf2) =	vadd.scan.msk.f32 $0xffff, v11;
	[tilespmem:s17+$0x10] =	vst v10  }
0x35: {  	_ =	sdelay $0x2  }
0x36: {  	(xrf2) =	vadd.scan.msk.f32 $0xffff, v7  }
0x37: {  	v7, _, _ =	vpop (xrf2)  }
0x38: {  	v10, _, _ =	vpop (xrf2)  }
0x39: {  	v11, _, _ =	vpop (xrf2)  }
0x3a: {  	v12 =	vbroadcast v11, $0xF;
	_ =	sdelay $0x1  }
0x3b: {  	[tilespmem:s17+$0x0] =	vst v6;
	v6 =	vadd.f32 v12, v10  }
0x3c: {  	v7 =	vadd.f32 v9, v7  }
0x3d: {  	[tilespmem:s17+$0xFFFFFFE0] =	vst v8;
	v8, _, _ =	vpop (xrf2)  }
0x3e: {  	s18 =	sadd.s32 $0x40, s17;
	[tilespmem:s17+$0xFFFFFFF0] =	vst v7;
	v7 =	vbroadcast v8, $0xF  }
0x3f: {  	[tilespmem:s18+$0x10] =	vst v6;
	v6, _, _ =	vpop (xrf2)  }
0x40: {  	[tilespmem:s18+$0x0] =	vst v11;
	v6 =	vadd.f32 v7, v6  }
0x41: {  	[tilespmem:s18+$0xFFFFFFE0] =	vst v8  }
0x42: {  	s17 =	simm.s32 $0x840;
	[tilespmem:s18+$0xFFFFFFF0] =	vst v6  }
0x43: {  	v6 =	vld [tilespmem:s17+$0xFFFFFFC0]  }
0x44: {  	v7 =	vld [tilespmem:s15+$0xFFFFFFE0];
	_ =	sdelay $0x4  }
0x45: {  	v6 =	vadd.f32 v7, v6;
	_ =	sdelay $0x1  }
0x46: {  	v7 =	vld [tilespmem:s17+$0xFFFFFFD0];
	[tilespmem:s17+$0xFFFFFFF0] =	vst v6  }
0x47: {  	v8 =	vld [tilespmem:s15+$0xFFFFFFF0];
	_ =	sdelay $0x4  }
0x48: {  	v7 =	vadd.f32 v8, v7  }
0x49: {  	[tilespmem:s17+$0x10] =	vst v1  }
0x4a: {  	[tilespmem:s17+$0x0] =	vst v7  }
0x4b: {  	v8 =	vld [tilespmem:s15+$0x0];
	_ =	sdelay $0x4  }
0x4c: {  	v6 =	vadd.f32 v8, v6;
	_ =	sdelay $0x1  }
0x4d: {  	[tilespmem:s17+$0x20] =	vst v6  }
0x4e: {  	v6 =	vld [tilespmem:s15+$0x10];
	_ =	sdelay $0x4  }
0x4f: {  	v6 =	vadd.f32 v6, v7  }
0x50: {  	s18 =	simm.s32 $0x8A0;
	[tilespmem:s17+$0x40] =	vst v1  }
.LBB2_4:
0x51: {  	v7 =	vld [tilespmem:s18+$0xFFFFFFC0];
	[tilespmem:s17+$0x30] =	vst v6;
	s15 =	sadd.s32 $0x40, s15;
	s17 =	smov.u32 s18  }
0x52: {  	s16 =	sadd.s32 $0x2, s16;
	v6 =	vld [tilespmem:s15+$0xFFFFFFE0]  }
0x53: {  	p0 =	slt.u32 s16, $0x1E;
	_ =	sdelay $0x3  }
0x54: {  	v6 =	vadd.f32 v6, v7;
	_ =	sdelay $0x1  }
0x55: {  	[tilespmem:s18+$0xFFFFFFF0] =	vst v6;
	v7 =	vld [tilespmem:s18+$0xFFFFFFD0]  }
0x56: {  	v8 =	vld [tilespmem:s15+$0xFFFFFFF0];
	[tilespmem:s18+$0x10] =	vst v1;
	_ =	sdelay $0x4  }
0x57: {  	v7 =	vadd.f32 v8, v7;
	_ =	sdelay $0x1  }
0x58: {  	[tilespmem:s18+$0x0] =	vst v7  }
0x59: {  	v8 =	vld [tilespmem:s15+$0x0];
	_ =	sdelay $0x4  }
0x5a: {  	v6 =	vadd.f32 v8, v6;
	_ =	sdelay $0x1  }
0x5b: {  	[tilespmem:s18+$0x20] =	vst v6  }
0x5c: {  	v6 =	vld [tilespmem:s15+$0x10];
	[tilespmem:s18+$0x40] =	vst v1;
	_ =	sdelay $0x1  }
.Ltmp1:
0x5d: {  	(pc) =	sbr.rel @p0 .LBB2_4-.Ltmp1, $3  }
0x5e: {  	_ =	sdelay $0x1  }
0x5f: {  	v6 =	vadd.f32 v6, v7  }
0x60: {  	s18 =	sadd.s32 $0x60, s18  }
0x61: {  	[tilespmem:s17+$0x30] =	vst v6  }
0x62: {  	_ =	swait.ge [sflag:s10], $0x3F40  }
0x63: {  	[sflag:s10] =	ssyncset.done $0x0  }
0x64: {  	s15 =	simm.s32 $0x5D70;
	[sflag:s10] =	ssyncadd.s32 $0xFFFFC0C0  }
0x65: {  	v6 =	vld [tilespmem:s15+$0xFFFFD090]  }
0x66: {  	v7 =	vld [tilespmem:s15+$0xFFFFD060]  }
0x67: {  	v9 =	vld [tilespmem:s15+$0xFFFFD070];
	_ =	sdelay $0x2  }
0x68: {  	v10 =	vand.u32 $0x7FF, v6  }
0x69: {  	v12 =	vld [tilespmem:s15+$0xFFFFD080];
	v8 =	vshrl.u32 v6, $0xB;
	v15 =	vand.u32 $0x7FF, v7  }
0x6a: {  	v13 =	vld [tilespmem:s15+$0xFFFFFFD0];
	v6 =	vshra.s32 v6, $0x15;
	v18 =	vand.u32 $0x7FF, v9;
	v8 =	vand.u32 $0x3FF, v8  }
0x6b: {  	v17 =	vld [tilespmem:s15+$0xFFFFFFE0];
	v14 =	vshrl.u32 v7, $0xB;
	v6 =	vsub.s32 v10, v6;
	v11 =	vsub.s32 v10, v8  }
0x6c: {  	v22 =	vld [tilespmem:s15+$0xFFFFFFF0];
	v16 =	vshrl.u32 v9, $0xB;
	v14 =	vand.u32 $0x3FF, v14;
	v6 =	vadd.s32 $0x30, v6  }
0x6d: {  	v16 =	vand.u32 $0x3FF, v16;
	v19 =	vsub.s32 v15, v14;
	v10 =	vld.idx.msk [tilespmem:v10+s11+$0x0], $0xffff  }
0x6e: {  	v20 =	vshrl.u32 v12, $0xB;
	v21 =	vsub.s32 v18, v16;
	v25 =	vld.idx.msk [tilespmem:v15+s11+$0x0], $0xffff  }
0x6f: {  	v23 =	vand.u32 $0x7FF, v12;
	v7 =	vshra.s32 v7, $0x15;
	v20 =	vand.u32 $0x3FF, v20;
	v26 =	vld.idx.msk [tilespmem:v18+s11+$0x0], $0xffff  }
0x70: {  	v7 =	vsub.s32 v15, v7;
	v24 =	vsub.s32 v23, v20;
	v11 =	vld.idx.msk [tilespmem:v11+s11+$0x0], $0xffff  }
0x71: {  	v7 =	vadd.s32 $0x30, v7;
	v8 =	vsub.s32 v6, v8;
	v6 =	vld.idx.msk [tilespmem:v6+s11+$0x0], $0xffff  }
0x72: {  	v9 =	vshra.s32 v9, $0x15;
	v15 =	vld.idx.msk [tilespmem:v19+s11+$0x0], $0xffff  }
0x73: {  	v9 =	vsub.s32 v18, v9;
	v19 =	vld.idx.msk [tilespmem:v21+s11+$0x0], $0xffff  }
0x74: {  	v9 =	vadd.s32 $0x30, v9;
	v21 =	vld [tilespmem:s15+$0x0]  }
0x75: {  	v24 =	vld.idx.msk [tilespmem:v24+s11+$0x0], $0xffff  }
0x76: {  	s28 =	simm.s32 $0x5DB0;
	v16 =	vsub.s32 v9, v16;
	v18 =	vld.idx.msk [tilespmem:v7+s11+$0x0], $0xffff  }
0x77: {  	v7 =	vsub.s32 v7, v14;
	v14 =	vld [tilespmem:s28+$0xFFFFD070]  }
0x78: {  	v8 =	vld.idx.msk [tilespmem:v8+s11+$0x0], $0xffff;
	v10 =	vsub.f32 v10, v11  }
0x79: {  	s30 =	simm.s32 $0x10;
	v9 =	vld.idx.msk [tilespmem:v9+s11+$0x0], $0xffff  }
0x7a: {  	v27 =	vmov s30;
	v12 =	vshra.s32 v12, $0x15;
	v6 =	vsub.f32 v10, v6;
	v10 =	vld [tilespmem:s28+$0xFFFFD090]  }
0x7b: {  	s31 =	simm.s32 $0x20;
	vm3 =	vlt.u32 v27, v2;
	v12 =	vsub.s32 v23, v12;
	v16 =	vld.idx.msk [tilespmem:v16+s11+$0x0], $0xffff  }
0x7c: {  	v27 =	vmov s31;
	v12 =	vadd.s32 $0x30, v12;
	v11 =	vld.idx.msk [tilespmem:v23+s11+$0x0], $0xffff;
	v15 =	vsub.f32 v25, v15  }
0x7d: {  	vm4 =	vlt.u32 v27, v2;
	v23 =	vld [tilespmem:s28+$0xFFFFD080];
	v19 =	vsub.f32 v26, v19;
	v6 =	vadd.f32 v8, v6  }
0x7e: {  	v25 =	vld [tilespmem:s28+$0xFFFFD060];
	v34 =	vand.u32 $0x7FF, v14;
	v15 =	vsub.f32 v15, v18;
	v8 =	vsub.s32 v12, v20  }
0x7f: {  	s16 =	simm.s32 $0x30;
	v30 =	vld.idx.msk [tilespmem:v7+s11+$0x0], $0xffff;
	v19 =	vsub.f32 v19, v9;
	v21 =	vmul.f32 v21, v6;
	v28 =	vshrl.u32 v10, $0xB  }
0x80: {  	v7 =	vld [tilespmem:s28+$0xFFFFFFD0];
	v6 =	vmov s16;
	v29 =	vand.u32 $0x7FF, v10;
	v28 =	vand.u32 $0x3FF, v28  }
0x81: {  	v12 =	vld.idx.msk [tilespmem:v12+s11+$0x0], $0xffff;
	vm12 =	vlt.u32 v6, v2;
	v6 =	vshra.s32 v10, $0x15;
	v10 =	vsub.s32 v29, v28  }
0x82: {  	v19 =	vadd.f32 v16, v19;
	v16 =	vld [tilespmem:s28+$0x0];
	v11 =	vsub.f32 v11, v24;
	v6 =	vsub.s32 v29, v6  }
0x83: {  	v26 =	vshrl.u32 v25, $0xB;
	v31 =	vand.u32 $0x7FF, v25;
	v27 =	vld.idx.msk [tilespmem:v8+s11+$0x0], $0xffff;
	v24 =	vadd.s32 $0x30, v6  }
0x84: {  	v32 =	vshrl.u32 v23, $0xB;
	v36 =	vand.u32 $0x7FF, v23;
	v25 =	vshra.s32 v25, $0x15;
	v6 =	vld [tilespmem:s28+$0xFFFFFFE0]  }
0x85: {  	v26 =	vand.u32 $0x3FF, v26;
	v9 =	vsub.s32 v31, v25;
	v28 =	vsub.s32 v24, v28;
	v29 =	vld.idx.msk [tilespmem:v29+s11+$0x0], $0xffff  }
0x86: {  	v18 =	vand.u32 $0x3FF, v32;
	v35 =	vsub.s32 v31, v26;
	v38 =	vadd.s32 $0x30, v9;
	v10 =	vld.idx.msk [tilespmem:v10+s11+$0x0], $0xffff  }
0x87: {  	s29 =	simm.s32 $0x0;
	v12 =	vsub.f32 v11, v12;
	v11 =	vsub.s32 v38, v26;
	v26 =	vmul.f32 v17, v19;
	v17 =	vld.idx.msk [tilespmem:v34+s11+$0x0], $0xffff  }
0x88: {  	v20 =	vmov s29;
	v37 =	vsub.s32 v36, v18;
	v8 =	vshrl.u32 v14, $0xB;
	v24 =	vld.idx.msk [tilespmem:v24+s11+$0x0], $0xffff  }
0x89: {  	s15 =	simm.s32 $0xE50;
	vm15 =	vlt.u32 v20, v2;
	v23 =	vshra.s32 v23, $0x15;
	v33 =	vand.u32 $0x3FF, v8;
	v31 =	vld.idx.msk [tilespmem:v31+s11+$0x0], $0xffff  }
0x8a: {  	v15 =	vadd.f32 v30, v15;
	v20 =	vnsel vm12, $0xFF800000, v21;
	[tilespmem:s15+$0x10] =	vst v21;
	v62 =	vsub.s32 v34, v33;
	v25 =	vld.idx.msk [tilespmem:v28+s11+$0x0], $0xffff  }
0x8b: {  	s16 =	simm.s32 $0x1E20;
	v21 =	vsub.s32 v36, v23;
	v63 =	vld.idx.msk [tilespmem:v35+s11+$0x0], $0xffff;
	v12 =	vadd.f32 v27, v12;
	v23 =	vsub.f32 v29, v10  }
0x8c: {  	v14 =	vshra.s32 v14, $0x15;
	[tilespmem:s16+$0x10] =	vst v20;
	v20 =	vmul.f32 v13, v15;
	v13 =	vadd.s32 $0x30, v21;
	v8 =	vld [tilespmem:s28+$0xFFFFFFF0]  }
0x8d: {  	v14 =	vsub.s32 v34, v14;
	v15 =	vld.idx.msk [tilespmem:v37+s11+$0x0], $0xffff;
	v19 =	vmul.f32 v22, v12;
	v23 =	vsub.f32 v23, v24  }
0x8e: {  	s17 =	simm.s32 $0x40;
	v9 =	vadd.s32 $0x30, v14;
	[tilespmem:s15+$0xFFFFFFE0] =	vst v20;
	v20 =	vnsel vm15, $0xFF800000, v20;
	v21 =	vld.idx.msk [tilespmem:v38+s11+$0x0], $0xffff;
	v12 =	vsub.s32 v13, v18  }
0x8f: {  	s19 =	simm.s32 $0x4;
	s21 =	simm.s32 $0x50;
	[tilespmem:s16+$0xFFFFFFE0] =	vst v20;
	v14 =	vld.idx.msk [tilespmem:v62+s11+$0x0], $0xffff;
	v22 =	vmov s17;
	v20 =	vnsel vm4, $0xFF800000, v19;
	v24 =	vadd.f32 v25, v23  }
0x90: {  	s22 =	simm.s32 $0x70;
	s20 =	simm.s32 $0x5DF0;
	s18 =	simm.s32 $0x1E20;
	[tilespmem:s15+$0xFFFFFFF0] =	vst v26;
	v18 =	vld.idx.msk [tilespmem:v36+s11+$0x0], $0xffff;
	v10 =	vsub.s32 v9, v33;
	v25 =	vnsel vm3, $0xFF800000, v26;
	v23 =	vsub.f32 v31, v63  }
.LBB2_6:
0x91: {  	v26 =	vld [tilespmem:s20+$0xFFFFD090];
	s19 =	sadd.s32 $0x4, s19;
	v27 =	vmov s21;
	s21 =	sadd.s32 $0x20, s17;
	v16 =	vmul.f32 v16, v24;
	v24 =	vmov s22;
	[tilespmem:s16+$0xFFFFFFF0] =	vst v25  }
0x92: {  	v25 =	vld [tilespmem:s20+$0xFFFFD070];
	p0 =	slt.u32 s19, $0xF8;
	vm4 =	vlt.u32 v27, v2;
	v27 =	vmov s21;
	vm12 =	vlt.u32 v24, v2;
	[tilespmem:s15+$0x0] =	vst v19;
	s15 =	sadd.s32 $0x40, s15  }
0x93: {  	vm15 =	vlt.u32 v22, v2;
	s16 =	sadd.s32 $0x40, s16;
	v19 =	vld [tilespmem:s20+$0xFFFFD080];
	vm3 =	vlt.u32 v27, v2;
	[tilespmem:s15+$0x10] =	vst v16;
	v16 =	vnsel vm12, $0xFF800000, v16  }
0x94: {  	v14 =	vsub.f32 v17, v14;
	v22 =	vld [tilespmem:s20+$0xFFFFD060];
	[tilespmem:s16+$0x10] =	vst v16  }
0x95: {  	v15 =	vsub.f32 v18, v15;
	v16 =	vld.idx.msk [tilespmem:v9+s11+$0x0], $0xffff;
	[tilespmem:s18+$0x0] =	vst v20;
	s18 =	smov.u32 s16  }
0x96: {  	v17 =	vsub.f32 v23, v21;
	v9 =	vshrl.u32 v26, $0xB;
	v18 =	vld.idx.msk [tilespmem:v13+s11+$0x0], $0xffff  }
0x97: {  	v20 =	vand.u32 $0x7FF, v26;
	v13 =	vshrl.u32 v25, $0xB;
	v9 =	vand.u32 $0x3FF, v9;
	v21 =	vld.idx.msk [tilespmem:v11+s11+$0x0], $0xffff  }
0x98: {  	v23 =	vshra.s32 v26, $0x15;
	v11 =	vshrl.u32 v19, $0xB;
	v24 =	vsub.s32 v20, v9;
	v26 =	vld.idx.msk [tilespmem:v10+s11+$0x0], $0xffff  }
0x99: {  	v23 =	vsub.s32 v20, v23;
	v13 =	vand.u32 $0x3FF, v13;
	v10 =	vshrl.u32 v22, $0xB;
	v27 =	vld.idx.msk [tilespmem:v12+s11+$0x0], $0xffff  }
0x9a: {  	v12 =	vand.u32 $0x3FF, v11;
	v11 =	vadd.s32 $0x30, v23;
	v10 =	vand.u32 $0x3FF, v10;
	v28 =	vld [tilespmem:s20+$0xFFFFFFD0]  }
0x9b: {  	v29 =	vand.u32 $0x7FF, v25;
	v31 =	vand.u32 $0x7FF, v19;
	v23 =	vand.u32 $0x7FF, v22;
	v30 =	vld [tilespmem:s20+$0xFFFFFFE0]  }
0x9c: {  	v33 =	vsub.s32 v29, v13;
	v34 =	vsub.s32 v11, v9;
	v32 =	vsub.s32 v23, v10;
	v20 =	vld.idx.msk [tilespmem:v20+s11+$0x0], $0xffff  }
0x9d: {  	v9 =	vshra.s32 v22, $0x15;
	v22 =	vshra.s32 v25, $0x15;
	v25 =	vsub.s32 v31, v12;
	v24 =	vld.idx.msk [tilespmem:v24+s11+$0x0], $0xffff  }
0x9e: {  	v19 =	vshra.s32 v19, $0x15;
	v9 =	vsub.s32 v23, v9;
	v22 =	vsub.s32 v29, v22;
	v35 =	vld [tilespmem:s20+$0xFFFFFFF0]  }
0x9f: {  	v19 =	vsub.s32 v31, v19;
	v36 =	vadd.s32 $0x30, v9;
	v9 =	vadd.s32 $0x30, v22;
	v22 =	vld.idx.msk [tilespmem:v11+s11+$0x0], $0xffff  }
0xa0: {  	v11 =	vsub.s32 v36, v10;
	v10 =	vsub.s32 v9, v13;
	v13 =	vadd.s32 $0x30, v19;
	v23 =	vld.idx.msk [tilespmem:v23+s11+$0x0], $0xffff  }
0xa1: {  	v16 =	vsub.f32 v14, v16;
	v15 =	vsub.f32 v15, v18;
	v12 =	vsub.s32 v13, v12;
	v34 =	vld.idx.msk [tilespmem:v34+s11+$0x0], $0xffff  }
0xa2: {  	v17 =	vadd.f32 v21, v17;
	v32 =	vld.idx.msk [tilespmem:v32+s11+$0x0], $0xffff  }
0xa3: {  	v19 =	vadd.f32 v26, v16;
	v18 =	vsub.f32 v20, v24;
	v14 =	vld.idx.msk [tilespmem:v33+s11+$0x0], $0xffff  }
.Ltmp2:
0xa4: {  	v21 =	vadd.f32 v27, v15;
	v20 =	vmul.f32 v7, v17;
	v7 =	vmov v28;
	v16 =	vld [tilespmem:s20+$0x0];
	(pc) =	sbr.rel @p0 .LBB2_6-.Ltmp2, $4  }
0xa5: {  	v26 =	vmul.f32 v6, v19;
	v6 =	vmov v30;
	v22 =	vsub.f32 v18, v22;
	v15 =	vld.idx.msk [tilespmem:v25+s11+$0x0], $0xffff  }
0xa6: {  	v19 =	vmul.f32 v8, v21;
	v8 =	vmov v35;
	v17 =	vld.idx.msk [tilespmem:v29+s11+$0x0], $0xffff;
	[tilespmem:s15+$0xFFFFFFE0] =	vst v20;
	v20 =	vnsel vm15, $0xFF800000, v20  }
0xa7: {  	s17 =	sadd.s32 $0x40, s17;
	v25 =	vnsel vm4, $0xFF800000, v26;
	v24 =	vadd.f32 v34, v22;
	v18 =	vld.idx.msk [tilespmem:v31+s11+$0x0], $0xffff;
	[tilespmem:s16+$0xFFFFFFE0] =	vst v20  }
0xa8: {  	s21 =	sadd.s32 $0x10, s17;
	s22 =	sadd.s32 $0x30, s17;
	s20 =	sadd.s32 $0x40, s20;
	v22 =	vmov s17;
	v23 =	vsub.f32 v23, v32;
	v20 =	vnsel vm3, $0xFF800000, v19;
	v21 =	vld.idx.msk [tilespmem:v36+s11+$0x0], $0xffff;
	[tilespmem:s15+$0xFFFFFFF0] =	vst v26  }
0xa9: {  	_ =	sdelay $0x3  }
0xaa: {  	v9 =	vld.idx.msk [tilespmem:v9+s11+$0x0], $0xffff  }
0xab: {  	v11 =	vld.idx.msk [tilespmem:v11+s11+$0x0], $0xffff  }
0xac: {  	v13 =	vld.idx.msk [tilespmem:v13+s11+$0x0], $0xffff  }
0xad: {  	v10 =	vld.idx.msk [tilespmem:v10+s11+$0x0], $0xffff  }
0xae: {  	v14 =	vsub.f32 v17, v14;
	v61 =	vsub.f32 v23, v21  }
0xaf: {  	v16 =	vmul.f32 v16, v24;
	v62 =	vmov s22;
	[tilespmem:s16+$0xFFFFFFF0] =	vst v25;
	v12 =	vld.idx.msk [tilespmem:v12+s11+$0x0], $0xffff;
	v15 =	vsub.f32 v18, v15  }
0xb0: {  	[tilespmem:s15+$0x0] =	vst v19;
	vm3 =	vlt.u32 v62, v2;
	v9 =	vsub.f32 v14, v9;
	v11 =	vadd.f32 v11, v61  }
0xb1: {  	s29 =	sadd.s32 $0x40, s15;
	[tilespmem:s18+$0x0] =	vst v20;
	v63 =	vnsel vm3, $0xFF800000, v16  }
0xb2: {  	s30 =	sadd.s32 $0x40, s16;
	[tilespmem:s29+$0x10] =	vst v16;
	v13 =	vsub.f32 v15, v13;
	v9 =	vadd.f32 v10, v9;
	v7 =	vmul.f32 v7, v11  }
0xb3: {  	vm3 =	vlt.u32 v22, v2;
	[tilespmem:s30+$0x10] =	vst v63;
	v10 =	vmov s21  }
0xb4: {  	v11 =	vadd.f32 v12, v13;
	v6 =	vmul.f32 v6, v9;
	[tilespmem:s29+$0xFFFFFFE0] =	vst v7;
	v7 =	vnsel vm3, $0xFF800000, v7  }
0xb5: {  	s17 =	sadd.s32 $0x20, s17;
	vm3 =	vlt.u32 v10, v2;
	[tilespmem:s30+$0xFFFFFFE0] =	vst v7  }
0xb6: {  	v8 =	vmul.f32 v8, v11;
	v7 =	vmov s17;
	v9 =	vnsel vm3, $0xFF800000, v6;
	[tilespmem:s29+$0xFFFFFFF0] =	vst v6  }
0xb7: {  	vm3 =	vlt.u32 v7, v2;
	[tilespmem:s30+$0xFFFFFFF0] =	vst v9  }
0xb8: {  	[tilespmem:s29+$0x0] =	vst v8;
	v6 =	vnsel vm3, $0xFF800000, v8  }
0xb9: {  	[tilespmem:s30+$0x0] =	vst v6  }
0xba: {  	v6 =	vld [tilespmem:$0x3D90];
	_ =	sdelay $0x4  }
0xbb: {  	v7 =	vshrl.u32 v6, $0xB  }
0xbc: {  	v8 =	vand.u32 $0x7FF, v6;
	v7 =	vand.u32 $0x3FF, v7  }
0xbd: {  	v6 =	vshra.s32 v6, $0x15;
	v9 =	vsub.s32 v8, v7  }
0xbe: {  	v6 =	vsub.s32 v8, v6  }
0xbf: {  	v6 =	vadd.s32 $0x30, v6;
	_ =	sdelay $0x1  }
0xc0: {  	v7 =	vsub.s32 v6, v7;
	v8 =	vld.idx.msk [tilespmem:v8+s11+$0x0], $0xffff  }
0xc1: {  	v9 =	vld.idx.msk [tilespmem:v9+s11+$0x0], $0xffff;
	_ =	sdelay $0x1  }
0xc2: {  	v6 =	vld.idx.msk [tilespmem:v6+s11+$0x0], $0xffff;
	_ =	sdelay $0x1  }
0xc3: {  	v7 =	vld.idx.msk [tilespmem:v7+s11+$0x0], $0xffff  }
0xc4: {  	v8 =	vsub.f32 v8, v9  }
0xc5: {  	v9 =	vld [tilespmem:$0x6D00]  }
0xc6: {  	v6 =	vsub.f32 v8, v6;
	_ =	sdelay $0x1  }
0xc7: {  	v6 =	vadd.f32 v7, v6;
	_ =	sdelay $0x1  }
0xc8: {  	v6 =	vmul.f32 v9, v6;
	_ =	sdelay $0x1  }
0xc9: {  	[tilespmem:$0x1DF0] =	vst v6;
	v6 =	vnsel vm0, $0xFF800000, v6  }
0xca: {  	s31 =	simm.s32 $0x1E10;
	[tilespmem:$0x2DC0] =	vst v6  }
0xcb: {  	v6 =	vld [tilespmem:s31+$0xFFFFFFF0];
	_ =	sdelay $0x1  }
0xcc: {  	v7 =	vld [tilespmem:s31+$0x0];
	_ =	sdelay $0x1  }
0xcd: {  	v9 =	vimm.f32 $-Inf  }
0xce: {  	s15 =	simm.s32 $0x0;
	s16 =	simm.s32 $0x2;
	s17 =	simm.s32 $0x1E30;
	v8 =	vimm.s32 $0x0;
	vm3 =	vgt.f32 v6, v9  }
.LBB2_8:
0xcf: {  	p0 =	slt.u32 s16, $0x72;
	v9 =	vsel vm3, v6, v9;
	v6 =	vld [tilespmem:s17+$0xFFFFFFF0];
	v8 =	vsel vm3, s15, v8;
	s18 =	smov.u32 s16;
	s16 =	sadd.s32 $0x2, s16  }
.Ltmp3:
0xd0: {  	s19 =	sadd.s32 $0x1, s15;
	vm3 =	vgt.f32 v7, v9;
	s15 =	smov.u32 s18;
	(pc) =	sbr.rel @p0 .LBB2_8-.Ltmp3, $2  }
0xd1: {  	v9 =	vsel vm3, v7, v9;
	v7 =	vld [tilespmem:s17+$0x0];
	v8 =	vsel vm3, s19, v8;
	_ =	sdelay $0x2  }
0xd2: {  	s17 =	sadd.s32 $0x20, s17;
	vm3 =	vgt.f32 v6, v9  }
0xd3: {  	v10 =	vld [tilespmem:$0x2540];
	_ =	sdelay $0x2  }
0xd4: {  	v6 =	vsel vm3, v6, v9  }
0xd5: {  	vm4 =	vgt.f32 v7, v6  }
0xd6: {  	v6 =	vsel vm4, v7, v6;
	v7 =	vnsel vm1, $0xFF800000, v10  }
0xd7: {  	vm12 =	vgt.f32 v7, v6  }
0xd8: {  	v6 =	vsel vm12, v7, v6  }
0xd9: {  	(xrf0) =	vmax.scan.msk.f32 $0xffff, v6;
	_ =	sdelay $0x4  }
0xda: {  	s30 =	sadd.s32 $0x1, s15;
	v7 =	vsel vm3, s15, v8  }
0xdb: {  	v7 =	vsel vm4, s30, v7;
	v8, _, _ =	vpop (xrf0)  }
0xdc: {  	v7 =	vshll.u32 v7, $0x4;
	v8 =	vbroadcast v8, $0xF  }
0xdd: {  	v7 =	vxor.u32 v3, v7  }
0xde: {  	vm3 =	veq.f32 v6, v8;
	v6 =	vsel vm12, v4, v7  }
0xdf: {  	v6 =	vnsel vm3, $0xC0000000, v6  }
0xe0: {  	(xrf0) =	vmin.scan.msk.u32 $0xffff, v6;
	_ =	sdelay $0x5  }
0xe1: {  	v6, _, _ =	vpop (xrf0)  }
0xe2: {  	(v2sf) =	vpush v6, $0xF;
	_ =	sdelay $0xe  }
0xe3: {  	s31 =	spop (v2sf)  }
0xe4: {  	s15 =	sxor.u32 $0x80000000, s31  }
0xe5: {  	v6 =	vmov s15  }
0xe6: {  	v7 =	vadd.s32 $0xFD0, v6;
	_ =	sdelay $0x2  }
0xe7: {  	s16 =	simm.s32 $0x3DB0  }
0xe8: {  	v13 =	vld [tilespmem:s16+$0x0]  }
0xe9: {  	v7 =	vld.idx.msk [tilespmem:v7+s8+$0x0], $0xffff;
	_ =	sdelay $0x3  }
0xea: {  	v16 =	vand.u32 $0xFF, v13  }
0xeb: {  	v18 =	vshrl.u32 v13, $0x8;
	v9 =	vand.u32 $0xFF, v7;
	v11 =	vshrl.u32 v7, $0x10  }
0xec: {  	v8 =	vshrl.u32 v7, $0x8;
	v12 =	vand.u32 $0xFF, v11;
	v11 =	vshrl.u32 v7, $0x18;
	v7 =	vld [tilespmem:s16+$0xFFFFFFF0]  }
0xed: {  	v17 =	vshrl.u32 v13, $0x18;
	v13 =	vshrl.u32 v13, $0x10;
	v18 =	vand.u32 $0xFF, v18  }
0xee: {  	v13 =	vand.u32 $0xFF, v13;
	v10 =	vand.u32 $0xFF, v8;
	v16 =	vmax.u32 v16, v9  }
0xef: {  	v8 =	vsub.s32 v12, v9;
	v14 =	vsub.s32 v11, v10;
	v17 =	vmin.u32 v17, v11  }
0xf0: {  	v13 =	vmin.u32 v13, v12;
	v18 =	vmax.u32 v18, v10;
	v8 =	vadd.s32 $0x1, v8  }
0xf1: {  	v14 =	vadd.s32 $0x1, v14;
	v13 =	vsub.s32 v13, v16;
	v19 =	vand.u32 $0xFF, v7  }
0xf2: {  	v20 =	vshrl.u32 v7, $0x8;
	v21 =	vshrl.u32 v7, $0x10;
	v7 =	vshrl.u32 v7, $0x18  }
0xf3: {  	v19 =	vmax.u32 v19, v9;
	v20 =	vand.u32 $0xFF, v20;
	v21 =	vand.u32 $0xFF, v21  }
0xf4: {  	v7 =	vmin.u32 v7, v11;
	v21 =	vmin.u32 v21, v12;
	v20 =	vmax.u32 v20, v10  }
0xf5: {  	v17 =	vsub.s32 v17, v18;
	v19 =	vsub.s32 v21, v19;
	v7 =	vsub.s32 v7, v20;
	v20 =	vld [tilespmem:s16+$0xFC0]  }
0xf6: {  	v8 =	vmul.u32 v14, v8;
	v21 =	vshra.s32 v19, $0x1F;
	v22 =	vshra.s32 v7, $0x1F  }
0xf7: {  	v18 =	vld [tilespmem:s16+$0xFD0];
	v61 =	vshra.s32 v13, $0x1F;
	v19 =	vor.u32 v21, v19;
	v7 =	vor.u32 v22, v7  }
0xf8: {  	v23 =	vshra.s32 v17, $0x1F;
	v19 =	vadd.s32 $0x1, v19;
	v7 =	vadd.s32 $0x1, v7  }
0xf9: {  	s18 =	simm.s32 $0x1E10;
	v13 =	vor.u32 v61, v13;
	v17 =	vor.u32 v23, v17;
	v7 =	vmul.u32 v7, v19  }
0xfa: {  	s19 =	simm.s32 $0x3DD0;
	v62 =	vld [tilespmem:s18+$0xFFFFFFF0];
	v13 =	vadd.s32 $0x1, v13;
	v17 =	vadd.s32 $0x1, v17;
	v19 =	vadd.s32 v8, v20  }
0xfb: {  	v16 =	vld [tilespmem:s19+$0x0];
	v13 =	vmul.u32 v17, v13;
	v63 =	vshll.u32 v7, $0x2;
	v7 =	vsub.s32 v19, v7  }
0xfc: {  	v20 =	vld [tilespmem:s18+$0x0];
	vm3 =	vgt.s32 v63, v7;
	v7 =	vadd.s32 v8, v18  }
0xfd: {  	v19 =	vshll.u32 v13, $0x2;
	v13 =	vsub.s32 v7, v13  }
0xfe: {  	vm4 =	vgt.s32 v19, v13;
	v19 =	vld [tilespmem:s19+$0xFFFFFFF0]  }
0xff: {  	v15 =	vimm.s32 $0x0;
	v14 =	vimm.f32 $-Inf;
	v21 =	vsel vm3, $0xFF800000, v62  }
0x100: {  	v17 =	vand.u32 $0xFF, v16;
	s16 =	simm.s32 $0x0;
	v18 =	vshrl.u32 v16, $0x18;
	vm3 =	vgt.f32 v21, v14  }
0x101: {  	s17 =	simm.s32 $0x2;
	s20 =	simm.s32 $0x4;
	v7 =	vld.idx.msk [tilespmem:v6+s12+$0x0], $0xffff;
	[tilespmem:s18+$0xFFFFFFF0] =	vst v21;
	v14 =	vsel vm3, v21, v14;
	v13 =	vsel vm3, s16, v15;
	v15 =	vsel vm4, $0xFF800000, v20  }
.LBB2_10:
0x102: {  	p0 =	slt.u32 s20, $0x72;
	v20 =	vshrl.u32 v16, $0x8;
	v16 =	vshrl.u32 v16, $0x10;
	[tilespmem:s18+$0x0] =	vst v15;
	vm3 =	vgt.f32 v15, v14;
	s21 =	sadd.s32 $0x1, s16;
	s16 =	smov.u32 s17  }
0x103: {  	s17 =	smov.u32 s20;
	v21 =	vand.u32 $0xFF, v19;
	v14 =	vsel vm3, v15, v14;
	v13 =	vsel vm3, s21, v13  }
0x104: {  	v15 =	vshrl.u32 v19, $0x8;
	v22 =	vshrl.u32 v19, $0x10;
	v19 =	vshrl.u32 v19, $0x18  }
0x105: {  	v17 =	vmax.u32 v17, v9;
	v18 =	vmin.u32 v18, v11;
	v20 =	vand.u32 $0xFF, v20  }
0x106: {  	v16 =	vand.u32 $0xFF, v16;
	v21 =	vmax.u32 v21, v9;
	v19 =	vmin.u32 v19, v11  }
0x107: {  	v15 =	vand.u32 $0xFF, v15;
	v22 =	vand.u32 $0xFF, v22;
	v16 =	vmin.u32 v16, v12  }
0x108: {  	v20 =	vmax.u32 v20, v10;
	v22 =	vmin.u32 v22, v12;
	v15 =	vmax.u32 v15, v10  }
0x109: {  	v17 =	vsub.s32 v16, v17;
	v21 =	vsub.s32 v22, v21;
	v15 =	vsub.s32 v19, v15;
	v19 =	vld [tilespmem:s19+$0xFC0]  }
0x10a: {  	v18 =	vsub.s32 v18, v20;
	v22 =	vshra.s32 v21, $0x1F;
	v23 =	vshra.s32 v15, $0x1F;
	v20 =	vld [tilespmem:s19+$0xFD0];
	s19 =	sadd.s32 $0x20, s19  }
0x10b: {  	s18 =	sadd.s32 $0x20, s18;
	v21 =	vor.u32 v22, v21;
	v15 =	vor.u32 v23, v15;
	v22 =	vshra.s32 v17, $0x1F;
	v16 =	vld [tilespmem:s19+$0x0]  }
0x10c: {  	v24 =	vshra.s32 v18, $0x1F;
	v21 =	vadd.s32 $0x1, v21;
	v15 =	vadd.s32 $0x1, v15;
	v23 =	vld [tilespmem:s18+$0xFFFFFFF0]  }
0x10d: {  	v18 =	vor.u32 v24, v18;
	v17 =	vor.u32 v22, v17;
	v15 =	vmul.u32 v15, v21  }
0x10e: {  	v18 =	vadd.s32 $0x1, v18;
	v17 =	vadd.s32 $0x1, v17;
	v19 =	vadd.s32 v8, v19;
	v21 =	vld [tilespmem:s18+$0x0]  }
.Ltmp4:
0x10f: {  	v18 =	vmul.u32 v18, v17;
	v22 =	vshll.u32 v15, $0x2;
	v15 =	vsub.s32 v19, v15;
	(pc) =	sbr.rel @p0 .LBB2_10-.Ltmp4, $4  }
0x110: {  	v19 =	vld [tilespmem:s19+$0xFFFFFFF0];
	v17 =	vand.u32 $0xFF, v16;
	vm3 =	vgt.s32 v22, v15;
	v15 =	vadd.s32 v8, v20  }
0x111: {  	v22 =	vshll.u32 v18, $0x2;
	v20 =	vsel vm3, $0xFF800000, v23;
	v15 =	vsub.s32 v15, v18  }
0x112: {  	v18 =	vshrl.u32 v16, $0x18;
	[tilespmem:s18+$0xFFFFFFF0] =	vst v20;
	vm3 =	vgt.f32 v20, v14;
	vm4 =	vgt.s32 v22, v15  }
0x113: {  	s20 =	sadd.s32 $0x2, s20;
	v14 =	vsel vm3, v20, v14;
	v13 =	vsel vm3, s16, v13;
	v15 =	vsel vm4, $0xFF800000, v21  }
0x114: {  	v20 =	vshrl.u32 v16, $0x8;
	v16 =	vshrl.u32 v16, $0x10  }
0x115: {  	v17 =	vmax.u32 v17, v9;
	v18 =	vmin.u32 v18, v11;
	v21 =	vand.u32 $0xFF, v19  }
0x116: {  	v22 =	vshrl.u32 v19, $0x8;
	v23 =	vshrl.u32 v19, $0x10;
	v19 =	vshrl.u32 v19, $0x18  }
0x117: {  	v20 =	vand.u32 $0xFF, v20;
	v16 =	vand.u32 $0xFF, v16;
	v21 =	vmax.u32 v21, v9  }
0x118: {  	v19 =	vmin.u32 v19, v11;
	v22 =	vand.u32 $0xFF, v22;
	v23 =	vand.u32 $0xFF, v23  }
0x119: {  	v16 =	vmin.u32 v16, v12;
	v23 =	vmin.u32 v23, v12;
	v22 =	vmax.u32 v22, v10  }
0x11a: {  	v20 =	vmax.u32 v20, v10;
	v21 =	vsub.s32 v23, v21;
	v19 =	vsub.s32 v19, v22  }
0x11b: {  	v16 =	vsub.s32 v16, v17;
	v22 =	vld [tilespmem:s19+$0xFC0];
	v17 =	vshra.s32 v21, $0x1F;
	v23 =	vshra.s32 v19, $0x1F  }
0x11c: {  	v18 =	vsub.s32 v18, v20;
	v20 =	vld [tilespmem:s19+$0xFD0];
	v17 =	vor.u32 v17, v21;
	v19 =	vor.u32 v23, v19  }
0x11d: {  	s26 =	sadd.s32 $0x20, s18;
	v21 =	vshra.s32 v16, $0x1F;
	v23 =	vshra.s32 v18, $0x1F;
	v17 =	vadd.s32 $0x1, v17  }
0x11e: {  	v24 =	vld [tilespmem:s26+$0xFFFFFFF0];
	v19 =	vadd.s32 $0x1, v19;
	v16 =	vor.u32 v21, v16;
	v18 =	vor.u32 v23, v18  }
0x11f: {  	v17 =	vmul.u32 v19, v17;
	v19 =	vld [tilespmem:s26+$0x0];
	v16 =	vadd.s32 $0x1, v16;
	v18 =	vadd.s32 $0x1, v18  }
0x120: {  	v21 =	vadd.s32 v8, v22;
	v16 =	vmul.u32 v18, v16  }
0x121: {  	v20 =	vadd.s32 v8, v20;
	v18 =	vshll.u32 v17, $0x2;
	v17 =	vsub.s32 v21, v17  }
0x122: {  	vm3 =	vgt.s32 v18, v17;
	v17 =	vshll.u32 v16, $0x2;
	v16 =	vsub.s32 v20, v16  }
0x123: {  	[tilespmem:s18+$0x0] =	vst v15;
	v18 =	vsel vm3, $0xFF800000, v24;
	vm3 =	vgt.s32 v17, v16  }
0x124: {  	[tilespmem:s26+$0xFFFFFFF0] =	vst v18;
	v16 =	vsel vm3, $0xFF800000, v19  }
0x125: {  	[tilespmem:s26+$0x0] =	vst v16  }
0x126: {  	v17 =	vld [tilespmem:$0x44E0];
	_ =	sdelay $0x4  }
0x127: {  	v19 =	vshrl.u32 v17, $0x10  }
0x128: {  	v20 =	vand.u32 $0xFF, v17;
	v21 =	vshrl.u32 v17, $0x8;
	v17 =	vshrl.u32 v17, $0x18  }
0x129: {  	v19 =	vand.u32 $0xFF, v19;
	v21 =	vand.u32 $0xFF, v21;
	v9 =	vmax.u32 v20, v9  }
0x12a: {  	v11 =	vmin.u32 v17, v11;
	v12 =	vmin.u32 v19, v12;
	v10 =	vmax.u32 v21, v10  }
0x12b: {  	v9 =	vsub.s32 v12, v9;
	v10 =	vsub.s32 v11, v10;
	v11 =	vld [tilespmem:$0x54B0]  }
0x12c: {  	v12 =	vshra.s32 v9, $0x1F;
	v17 =	vshra.s32 v10, $0x1F  }
0x12d: {  	v9 =	vor.u32 v12, v9;
	v10 =	vor.u32 v17, v10  }
0x12e: {  	v9 =	vadd.s32 $0x1, v9;
	v10 =	vadd.s32 $0x1, v10  }
0x12f: {  	v12 =	vld [tilespmem:$0x2540];
	v9 =	vmul.u32 v10, v9  }
0x130: {  	vm3 =	vgt.f32 v15, v14;
	v8 =	vadd.s32 v8, v11  }
0x131: {  	v10 =	vsel vm3, v15, v14;
	v11 =	vshll.u32 v9, $0x2;
	v8 =	vsub.s32 v8, v9  }
0x132: {  	vm4 =	vgt.f32 v18, v10;
	vm12 =	vle.s32 v11, v8  }
0x133: {  	v8 =	vsel vm4, v18, v10;
	vm12 =	vmor vm12, vm2  }
0x134: {  	vm15 =	vgt.f32 v16, v8;
	v9 =	vnsel vm12, $0xFF800000, v12  }
0x135: {  	v8 =	vsel vm15, v16, v8;
	v10 =	vnsel vm1, $0xFF800000, v9  }
0x136: {  	vm12 =	vgt.f32 v10, v8  }
0x137: {  	v8 =	vsel vm12, v10, v8  }
0x138: {  	(xrf0) =	vmax.scan.msk.f32 $0xffff, v8;
	_ =	sdelay $0x2  }
0x139: {  	s16 =	sadd.s32 $0x1, s16  }
0x13a: {  	v10 =	vsel vm3, s16, v13  }
0x13b: {  	s28 =	sadd.s32 $0x1, s17;
	v10 =	vsel vm4, s17, v10  }
0x13c: {  	v10 =	vsel vm15, s28, v10;
	v11, _, _ =	vpop (xrf0)  }
0x13d: {  	v10 =	vshll.u32 v10, $0x4;
	v12 =	vbroadcast v11, $0xF  }
0x13e: {  	v10 =	vxor.u32 v3, v10  }
0x13f: {  	vm3 =	veq.f32 v8, v12;
	v8 =	vsel vm12, v4, v10  }
0x140: {  	v8 =	vnsel vm3, $0xC0000000, v8  }
0x141: {  	(xrf0) =	vmin.scan.msk.u32 $0xffff, v8;
	_ =	sdelay $0x5  }
0x142: {  	(v2sf) =	vpush v11, $0xF;
	v8, _, _ =	vpop (xrf0)  }
0x143: {  	(v2sf) =	vpush v8, $0xF;
	_ =	sdelay $0xd  }
0x144: {  	s29 =	spop (v2sf)  }
0x145: {  	p0 =	sgt.f32 s29, $-Inf;
	s30 =	spop (v2sf)  }
0x146: {  	s16 =	sxor.u32 $0x80000000, s30  }
0x147: {  	s15 =	smov.u32 @p0 s16  }
0x148: {  	v8 =	vmov s15  }
0x149: {  	v10 =	vadd.s32 $0xFD0, v8;
	_ =	sdelay $0x2  }
0x14a: {  	s31 =	simm.s32 $0x3DB0;
	[tilespmem:$0x2540] =	vst v9  }
0x14b: {  	v15 =	vld [tilespmem:s31+$0x0]  }
0x14c: {  	v9 =	vld.idx.msk [tilespmem:v10+s8+$0x0], $0xffff;
	_ =	sdelay $0x3  }
0x14d: {  	v18 =	vshrl.u32 v15, $0x18  }
0x14e: {  	v19 =	vshrl.u32 v15, $0x8;
	v11 =	vand.u32 $0xFF, v9;
	v13 =	vshrl.u32 v9, $0x10  }
0x14f: {  	v10 =	vshrl.u32 v9, $0x8;
	v14 =	vand.u32 $0xFF, v13;
	v13 =	vshrl.u32 v9, $0x18;
	v9 =	vld [tilespmem:s31+$0xFFFFFFF0]  }
0x150: {  	v19 =	vand.u32 $0xFF, v19;
	v12 =	vand.u32 $0xFF, v10;
	v10 =	vsub.s32 v14, v11  }
0x151: {  	v16 =	vsub.s32 v13, v12;
	v18 =	vmin.u32 v18, v13;
	v19 =	vmax.u32 v19, v12  }
0x152: {  	v10 =	vadd.s32 $0x1, v10;
	v16 =	vadd.s32 $0x1, v16;
	v19 =	vsub.s32 v18, v19  }
0x153: {  	v10 =	vmul.u32 v16, v10;
	v16 =	vand.u32 $0xFF, v15;
	v15 =	vshrl.u32 v15, $0x10  }
0x154: {  	v16 =	vmax.u32 v16, v11;
	v15 =	vand.u32 $0xFF, v15;
	v20 =	vand.u32 $0xFF, v9  }
0x155: {  	v21 =	vshrl.u32 v9, $0x8;
	v23 =	vshrl.u32 v9, $0x10;
	v9 =	vshrl.u32 v9, $0x18  }
0x156: {  	v20 =	vmax.u32 v20, v11;
	v21 =	vand.u32 $0xFF, v21;
	v23 =	vand.u32 $0xFF, v23  }
0x157: {  	v9 =	vmin.u32 v9, v13;
	v23 =	vmin.u32 v23, v14;
	v21 =	vmax.u32 v21, v12  }
0x158: {  	v15 =	vmin.u32 v15, v14;
	v20 =	vsub.s32 v23, v20;
	v9 =	vsub.s32 v9, v21;
	v21 =	vld [tilespmem:s31+$0xFC0]  }
0x159: {  	v15 =	vsub.s32 v15, v16;
	v16 =	vshra.s32 v20, $0x1F;
	v23 =	vshra.s32 v9, $0x1F  }
0x15a: {  	v62 =	vld [tilespmem:s31+$0xFD0];
	v25 =	vshra.s32 v19, $0x1F;
	v16 =	vor.u32 v16, v20;
	v9 =	vor.u32 v23, v9  }
0x15b: {  	v20 =	vshra.s32 v15, $0x1F;
	v16 =	vadd.s32 $0x1, v16;
	v9 =	vadd.s32 $0x1, v9  }
0x15c: {  	s18 =	simm.s32 $0x1E10;
	v15 =	vor.u32 v20, v15;
	v9 =	vmul.u32 v9, v16;
	v16 =	vor.u32 v25, v19  }
0x15d: {  	s19 =	simm.s32 $0x3DD0;
	v23 =	vld [tilespmem:s18+$0xFFFFFFF0];
	v15 =	vadd.s32 $0x1, v15;
	v19 =	vadd.s32 v10, v21;
	v16 =	vadd.s32 $0x1, v16  }
0x15e: {  	v18 =	vld [tilespmem:s19+$0x0];
	v20 =	vshll.u32 v9, $0x2;
	v9 =	vsub.s32 v19, v9;
	v15 =	vmul.u32 v16, v15  }
0x15f: {  	v63 =	vld [tilespmem:s18+$0x0];
	vm3 =	vgt.s32 v20, v9;
	v9 =	vadd.s32 v10, v62  }
0x160: {  	v21 =	vshll.u32 v15, $0x2;
	v15 =	vsub.s32 v9, v15  }
0x161: {  	vm4 =	vgt.s32 v21, v15;
	v21 =	vld [tilespmem:s19+$0xFFFFFFF0]  }
0x162: {  	v22 =	vimm.s32 $0x0;
	v17 =	vimm.f32 $-Inf;
	v16 =	vsel vm3, $0xFF800000, v23  }
0x163: {  	s16 =	simm.s32 $0x0;
	v19 =	vand.u32 $0xFF, v18;
	v20 =	vshrl.u32 v18, $0x18;
	vm3 =	vgt.f32 v16, v17  }
0x164: {  	s20 =	simm.s32 $0x4;
	s17 =	simm.s32 $0x2;
	v9 =	vld.idx.msk [tilespmem:v8+s12+$0x0], $0xffff;
	[tilespmem:s18+$0xFFFFFFF0] =	vst v16;
	v16 =	vsel vm3, v16, v17;
	v15 =	vsel vm3, s16, v22;
	v17 =	vsel vm4, $0xFF800000, v63  }
.LBB2_12:
0x165: {  	p0 =	slt.u32 s20, $0x72;
	v22 =	vshrl.u32 v18, $0x8;
	v18 =	vshrl.u32 v18, $0x10;
	[tilespmem:s18+$0x0] =	vst v17;
	vm3 =	vgt.f32 v17, v16;
	s21 =	sadd.s32 $0x1, s16;
	s16 =	smov.u32 s17  }
0x166: {  	s17 =	smov.u32 s20;
	v23 =	vand.u32 $0xFF, v21;
	v16 =	vsel vm3, v17, v16;
	v15 =	vsel vm3, s21, v15  }
0x167: {  	v17 =	vshrl.u32 v21, $0x8;
	v24 =	vshrl.u32 v21, $0x10;
	v21 =	vshrl.u32 v21, $0x18  }
0x168: {  	v19 =	vmax.u32 v19, v11;
	v20 =	vmin.u32 v20, v13;
	v22 =	vand.u32 $0xFF, v22  }
0x169: {  	v18 =	vand.u32 $0xFF, v18;
	v23 =	vmax.u32 v23, v11;
	v21 =	vmin.u32 v21, v13  }
0x16a: {  	v17 =	vand.u32 $0xFF, v17;
	v24 =	vand.u32 $0xFF, v24;
	v18 =	vmin.u32 v18, v14  }
0x16b: {  	v22 =	vmax.u32 v22, v12;
	v24 =	vmin.u32 v24, v14;
	v17 =	vmax.u32 v17, v12  }
0x16c: {  	v19 =	vsub.s32 v18, v19;
	v23 =	vsub.s32 v24, v23;
	v17 =	vsub.s32 v21, v17;
	v21 =	vld [tilespmem:s19+$0xFC0]  }
0x16d: {  	v20 =	vsub.s32 v20, v22;
	v24 =	vshra.s32 v23, $0x1F;
	v25 =	vshra.s32 v17, $0x1F;
	v22 =	vld [tilespmem:s19+$0xFD0];
	s19 =	sadd.s32 $0x20, s19  }
0x16e: {  	s18 =	sadd.s32 $0x20, s18;
	v23 =	vor.u32 v24, v23;
	v17 =	vor.u32 v25, v17;
	v24 =	vshra.s32 v19, $0x1F;
	v18 =	vld [tilespmem:s19+$0x0]  }
0x16f: {  	v26 =	vshra.s32 v20, $0x1F;
	v23 =	vadd.s32 $0x1, v23;
	v17 =	vadd.s32 $0x1, v17;
	v25 =	vld [tilespmem:s18+$0xFFFFFFF0]  }
0x170: {  	v20 =	vor.u32 v26, v20;
	v19 =	vor.u32 v24, v19;
	v17 =	vmul.u32 v17, v23  }
0x171: {  	v20 =	vadd.s32 $0x1, v20;
	v19 =	vadd.s32 $0x1, v19;
	v21 =	vadd.s32 v10, v21;
	v23 =	vld [tilespmem:s18+$0x0]  }
.Ltmp5:
0x172: {  	v20 =	vmul.u32 v20, v19;
	v24 =	vshll.u32 v17, $0x2;
	v17 =	vsub.s32 v21, v17;
	(pc) =	sbr.rel @p0 .LBB2_12-.Ltmp5, $4  }
0x173: {  	v21 =	vld [tilespmem:s19+$0xFFFFFFF0];
	v19 =	vand.u32 $0xFF, v18;
	vm3 =	vgt.s32 v24, v17;
	v17 =	vadd.s32 v10, v22  }
0x174: {  	v24 =	vshll.u32 v20, $0x2;
	v22 =	vsel vm3, $0xFF800000, v25;
	v17 =	vsub.s32 v17, v20  }
0x175: {  	v20 =	vshrl.u32 v18, $0x18;
	[tilespmem:s18+$0xFFFFFFF0] =	vst v22;
	vm3 =	vgt.f32 v22, v16;
	vm4 =	vgt.s32 v24, v17  }
0x176: {  	s20 =	sadd.s32 $0x2, s20;
	v16 =	vsel vm3, v22, v16;
	v15 =	vsel vm3, s16, v15;
	v17 =	vsel vm4, $0xFF800000, v23  }
0x177: {  	v22 =	vshrl.u32 v18, $0x8;
	v56 =	vshrl.u32 v18, $0x10  }
0x178: {  	v19 =	vmax.u32 v19, v11;
	v20 =	vmin.u32 v20, v13;
	v23 =	vand.u32 $0xFF, v21  }
0x179: {  	v24 =	vshrl.u32 v21, $0x8;
	v25 =	vshrl.u32 v21, $0x10;
	v21 =	vshrl.u32 v21, $0x18  }
0x17a: {  	v22 =	vand.u32 $0xFF, v22;
	v18 =	vand.u32 $0xFF, v56;
	v23 =	vmax.u32 v23, v11  }
0x17b: {  	v21 =	vmin.u32 v21, v13;
	v24 =	vand.u32 $0xFF, v24;
	v25 =	vand.u32 $0xFF, v25  }
0x17c: {  	v18 =	vmin.u32 v18, v14;
	v22 =	vmax.u32 v22, v12;
	v25 =	vmin.u32 v25, v14  }
0x17d: {  	v24 =	vmax.u32 v24, v12;
	v18 =	vsub.s32 v18, v19;
	v20 =	vsub.s32 v20, v22  }
0x17e: {  	v57 =	vld [tilespmem:s19+$0xFC0];
	v23 =	vsub.s32 v25, v23;
	v21 =	vsub.s32 v21, v24;
	v60 =	vshra.s32 v20, $0x1F  }
0x17f: {  	v22 =	vld [tilespmem:s19+$0xFD0];
	v58 =	vshra.s32 v23, $0x1F;
	v59 =	vshra.s32 v21, $0x1F;
	v20 =	vor.u32 v60, v20  }
0x180: {  	s26 =	sadd.s32 $0x20, s18;
	v19 =	vor.u32 v58, v23;
	v23 =	vshra.s32 v18, $0x1F;
	v21 =	vor.u32 v59, v21  }
0x181: {  	v18 =	vor.u32 v23, v18;
	v23 =	vld [tilespmem:s26+$0xFFFFFFF0];
	v19 =	vadd.s32 $0x1, v19;
	v21 =	vadd.s32 $0x1, v21  }
0x182: {  	v20 =	vadd.s32 $0x1, v20;
	v19 =	vmul.u32 v21, v19;
	v21 =	vld [tilespmem:s26+$0x0];
	v18 =	vadd.s32 $0x1, v18  }
0x183: {  	v24 =	vadd.s32 v10, v57;
	v18 =	vmul.u32 v20, v18  }
0x184: {  	v22 =	vadd.s32 v10, v22;
	v20 =	vshll.u32 v19, $0x2;
	v19 =	vsub.s32 v24, v19  }
0x185: {  	vm3 =	vgt.s32 v20, v19;
	v61 =	vshll.u32 v18, $0x2;
	v18 =	vsub.s32 v22, v18  }
0x186: {  	[tilespmem:s18+$0x0] =	vst v17;
	v20 =	vsel vm3, $0xFF800000, v23;
	vm3 =	vgt.s32 v61, v18  }
0x187: {  	[tilespmem:s26+$0xFFFFFFF0] =	vst v20;
	v18 =	vsel vm3, $0xFF800000, v21  }
0x188: {  	[tilespmem:s26+$0x0] =	vst v18  }
0x189: {  	v62 =	vld [tilespmem:$0x44E0];
	_ =	sdelay $0x4  }
0x18a: {  	v21 =	vshrl.u32 v62, $0x10  }
0x18b: {  	v22 =	vand.u32 $0xFF, v62;
	v23 =	vshrl.u32 v62, $0x8;
	v19 =	vshrl.u32 v62, $0x18  }
0x18c: {  	v21 =	vand.u32 $0xFF, v21;
	v23 =	vand.u32 $0xFF, v23;
	v11 =	vmax.u32 v22, v11  }
0x18d: {  	v13 =	vmin.u32 v19, v13;
	v14 =	vmin.u32 v21, v14;
	v12 =	vmax.u32 v23, v12  }
0x18e: {  	v11 =	vsub.s32 v14, v11;
	v12 =	vsub.s32 v13, v12;
	v13 =	vld [tilespmem:$0x54B0]  }
0x18f: {  	v14 =	vshra.s32 v11, $0x1F;
	v63 =	vshra.s32 v12, $0x1F  }
0x190: {  	v11 =	vor.u32 v14, v11;
	v12 =	vor.u32 v63, v12  }
0x191: {  	v11 =	vadd.s32 $0x1, v11;
	v12 =	vadd.s32 $0x1, v12  }
0x192: {  	v14 =	vld [tilespmem:$0x2540];
	v11 =	vmul.u32 v12, v11  }
0x193: {  	vm3 =	vgt.f32 v17, v16;
	v10 =	vadd.s32 v10, v13  }
0x194: {  	v12 =	vsel vm3, v17, v16;
	v13 =	vshll.u32 v11, $0x2;
	v10 =	vsub.s32 v10, v11  }
0x195: {  	vm4 =	vgt.f32 v20, v12;
	vm12 =	vle.s32 v13, v10  }
0x196: {  	v10 =	vsel vm4, v20, v12;
	vm12 =	vmor vm12, vm2  }
0x197: {  	vm15 =	vgt.f32 v18, v10;
	v21 =	vnsel vm12, $0xFF800000, v14  }
0x198: {  	v10 =	vsel vm15, v18, v10;
	v11 =	vnsel vm1, $0xFF800000, v21  }
0x199: {  	vm12 =	vgt.f32 v11, v10  }
0x19a: {  	v10 =	vsel vm12, v11, v10  }
0x19b: {  	(xrf0) =	vmax.scan.msk.f32 $0xffff, v10;
	_ =	sdelay $0x2  }
0x19c: {  	s16 =	sadd.s32 $0x1, s16  }
0x19d: {  	v11 =	vsel vm3, s16, v15  }
0x19e: {  	s28 =	sadd.s32 $0x1, s17;
	v11 =	vsel vm4, s17, v11  }
0x19f: {  	v11 =	vsel vm15, s28, v11;
	v12, _, _ =	vpop (xrf0)  }
0x1a0: {  	v11 =	vshll.u32 v11, $0x4;
	v13 =	vbroadcast v12, $0xF  }
0x1a1: {  	v11 =	vxor.u32 v3, v11  }
0x1a2: {  	vm3 =	veq.f32 v10, v13;
	v10 =	vsel vm12, v4, v11  }
0x1a3: {  	v10 =	vnsel vm3, $0xC0000000, v10  }
0x1a4: {  	(xrf0) =	vmin.scan.msk.u32 $0xffff, v10;
	_ =	sdelay $0x5  }
0x1a5: {  	(v2sf) =	vpush v12, $0xF;
	v10, _, _ =	vpop (xrf0)  }
0x1a6: {  	(v2sf) =	vpush v10, $0xF;
	_ =	sdelay $0xd  }
0x1a7: {  	s29 =	spop (v2sf)  }
0x1a8: {  	p0 =	sgt.f32 s29, $-Inf;
	s30 =	spop (v2sf)  }
0x1a9: {  	s16 =	sxor.u32 $0x80000000, s30  }
0x1aa: {  	s31 =	simm.s32 $0x2560;
	[tilespmem:$0x2540] =	vst v21;
	s15 =	smov.u32 @p0 s16  }
0x1ab: {  	v12 =	vld [tilespmem:s31+$0xFFFFFFF0];
	v10 =	vmov s15  }
0x1ac: {  	v13 =	vsel vm1, $0xFF800000, v21  }
0x1ad: {  	v14 =	vld [tilespmem:s31+$0x0];
	vm3 =	vlt.f32 v13, $-Inf;
	vm4 =	vgt.f32 v13, $-Inf  }
0x1ae: {  	vm3 =	vmor vm4, vm3  }
0x1af: {  	v15 =	vnsel vm3, $0xFF800000, v13  }
0x1b0: {  	vm6 =	vmmov vm2;
	s17 =	simm.s32 $0x2580;
	v13 =	vsel vm3, $0x74, v5;
	vm4 =	vgt.f32 v12, v15;
	s16 =	simm.s32 $0x77;
	s15 =	simm.s32 $0x75;
	v11 =	vld.idx.msk [tilespmem:v10+s12+$0x0], $0xffff  }
.LBB2_14:
0x1b1: {  	p0 =	slt.u32 s16, $0xC3;
	v15 =	vsel vm4, v12, v15;
	v12 =	vld [tilespmem:s17+$0xFFFFFFF0];
	v13 =	vsel vm4, s15, v13;
	s18 =	smov.u32 s16;
	s16 =	sadd.s32 $0x2, s16  }
.Ltmp6:
0x1b2: {  	s19 =	sadd.s32 $0x1, s15;
	vm3 =	vgt.f32 v14, v15;
	s15 =	smov.u32 s18;
	(pc) =	sbr.rel @p0 .LBB2_14-.Ltmp6, $2  }
0x1b3: {  	v15 =	vsel vm3, v14, v15;
	v14 =	vld [tilespmem:s17+$0x0];
	v13 =	vsel vm3, s19, v13;
	_ =	sdelay $0x2  }
0x1b4: {  	s17 =	sadd.s32 $0x20, s17;
	vm4 =	vgt.f32 v12, v15  }
0x1b5: {  	v16 =	vld [tilespmem:$0x2A50]  }
0x1b6: {  	v17 =	vld [tilespmem:$0x2A60]  }
0x1b7: {  	v12 =	vsel vm4, v12, v15  }
0x1b8: {  	vm12 =	vgt.f32 v14, v12  }
0x1b9: {  	v12 =	vsel vm12, v14, v12  }
0x1ba: {  	vm3 =	vmmov $0x3fff;
	vm15 =	vgt.f32 v16, v12  }
0x1bb: {  	v14 =	vnsel vm3, $0xFF800000, v17;
	v12 =	vsel vm15, v16, v12  }
0x1bc: {  	vm2 =	vgt.f32 v14, v12  }
0x1bd: {  	v12 =	vsel vm2, v14, v12  }
0x1be: {  	(xrf0) =	vmax.scan.msk.f32 $0xffff, v12;
	_ =	sdelay $0x3  }
0x1bf: {  	v13 =	vsel vm4, s15, v13;
	s30 =	sadd.s32 $0x1, s15  }
0x1c0: {  	v13 =	vsel vm12, s30, v13  }
0x1c1: {  	v13 =	vshll.u32 v13, $0x4;
	v14, _, _ =	vpop (xrf0)  }
0x1c2: {  	v13 =	vxor.u32 v3, v13;
	v16 =	vbroadcast v14, $0xF;
	v14 =	vor.u32 $0x80000C50, v0  }
0x1c3: {  	v15 =	vor.u32 $0x80000C60, v0;
	v13 =	vsel vm15, v14, v13  }
0x1c4: {  	vm4 =	veq.f32 v12, v16;
	v12 =	vsel vm2, v15, v13  }
0x1c5: {  	v12 =	vnsel vm4, $0xC0000000, v12  }
0x1c6: {  	(xrf0) =	vmin.scan.msk.u32 $0xffff, v12;
	_ =	sdelay $0x5  }
0x1c7: {  	v12, _, _ =	vpop (xrf0)  }
0x1c8: {  	(v2sf) =	vpush v12, $0xF;
	_ =	sdelay $0xe  }
0x1c9: {  	s31 =	spop (v2sf)  }
0x1ca: {  	s15 =	sxor.u32 $0x80000000, s31  }
0x1cb: {  	v12 =	vmov s15  }
0x1cc: {  	v13 =	vadd.s32 $0xFD0, v12;
	_ =	sdelay $0x2  }
0x1cd: {  	v19 =	vld [tilespmem:$0x44E0];
	_ =	sdelay $0x1  }
0x1ce: {  	v13 =	vld.idx.msk [tilespmem:v13+s8+$0x0], $0xffff;
	_ =	sdelay $0x2  }
0x1cf: {  	v22 =	vshrl.u32 v19, $0x10  }
0x1d0: {  	v23 =	vshrl.u32 v19, $0x8;
	v22 =	vand.u32 $0xFF, v22  }
0x1d1: {  	v16 =	vand.u32 $0xFF, v13;
	v17 =	vshrl.u32 v13, $0x8;
	v18 =	vshrl.u32 v13, $0x10  }
0x1d2: {  	v20 =	vand.u32 $0xFF, v18;
	v18 =	vshrl.u32 v13, $0x18;
	v13 =	vand.u32 $0xFF, v19  }
0x1d3: {  	v23 =	vand.u32 $0xFF, v23;
	v22 =	vmin.u32 v22, v20;
	v13 =	vmax.u32 v13, v16  }
0x1d4: {  	v17 =	vand.u32 $0xFF, v17;
	v19 =	vshrl.u32 v19, $0x18;
	v13 =	vsub.s32 v22, v13  }
0x1d5: {  	v19 =	vmin.u32 v19, v18;
	v23 =	vmax.u32 v23, v17;
	v22 =	vshra.s32 v13, $0x1F  }
0x1d6: {  	v19 =	vsub.s32 v19, v23;
	v13 =	vor.u32 v22, v13;
	v22 =	vld [tilespmem:$0x54B0]  }
0x1d7: {  	v24 =	vsub.s32 v20, v16;
	v25 =	vsub.s32 v18, v17;
	v23 =	vshra.s32 v19, $0x1F  }
0x1d8: {  	v19 =	vor.u32 v23, v19;
	v23 =	vadd.s32 $0x1, v24;
	v24 =	vadd.s32 $0x1, v25  }
0x1d9: {  	v13 =	vadd.s32 $0x1, v13;
	v25 =	vadd.s32 $0x1, v19;
	v19 =	vmul.u32 v24, v23  }
0x1da: {  	v13 =	vmul.u32 v25, v13  }
0x1db: {  	v22 =	vadd.s32 v22, v19  }
0x1dc: {  	v23 =	vshll.u32 v13, $0x2;
	v13 =	vsub.s32 v22, v13  }
0x1dd: {  	vm2 =	vle.s32 v23, v13  }
0x1de: {  	vm2 =	vmor vm2, vm1  }
0x1df: {  	v21 =	vnsel vm2, $0xFF800000, v21  }
0x1e0: {  	s16 =	simm.s32 $0x54D0;
	v13 =	vld.idx.msk [tilespmem:v12+s12+$0x0], $0xffff;
	[tilespmem:$0x2540] =	vst v21  }
0x1e1: {  	v22 =	vld [tilespmem:s16+$0xFFFFF030]  }
0x1e2: {  	v23 =	vld [tilespmem:s16+$0xFFFFF020]  }
0x1e3: {  	v21 =	vsel vm1, $0xFF800000, v21  }
0x1e4: {  	vm2 =	vlt.f32 v21, $-Inf;
	vm4 =	vgt.f32 v21, $-Inf  }
0x1e5: {  	vm2 =	vmor vm4, vm2  }
0x1e6: {  	v21 =	vnsel vm2, $0xFF800000, v21;
	v25 =	vand.u32 $0xFF, v22;
	v26 =	vshrl.u32 v22, $0x18  }
0x1e7: {  	v27 =	vshrl.u32 v22, $0x8;
	v22 =	vshrl.u32 v22, $0x10;
	v28 =	vand.u32 $0xFF, v23  }
0x1e8: {  	v29 =	vshrl.u32 v23, $0x8;
	v30 =	vshrl.u32 v23, $0x10;
	v23 =	vshrl.u32 v23, $0x18  }
0x1e9: {  	v27 =	vand.u32 $0xFF, v27;
	v25 =	vmax.u32 v25, v16;
	v26 =	vmin.u32 v26, v18  }
0x1ea: {  	v28 =	vmax.u32 v28, v16;
	v23 =	vmin.u32 v23, v18;
	v22 =	vand.u32 $0xFF, v22  }
0x1eb: {  	v29 =	vand.u32 $0xFF, v29;
	v30 =	vand.u32 $0xFF, v30;
	v22 =	vmin.u32 v22, v20  }
0x1ec: {  	v30 =	vmin.u32 v30, v20;
	v29 =	vmax.u32 v29, v17;
	v27 =	vmax.u32 v27, v17  }
0x1ed: {  	v28 =	vsub.s32 v30, v28;
	v23 =	vsub.s32 v23, v29;
	v29 =	vld [tilespmem:s16+$0xFFFFFFF0];
	v25 =	vsub.s32 v22, v25  }
0x1ee: {  	v26 =	vsub.s32 v26, v27;
	v30 =	vshra.s32 v28, $0x1F;
	v31 =	vshra.s32 v23, $0x1F  }
0x1ef: {  	v27 =	vld [tilespmem:s16+$0x0];
	v61 =	vshra.s32 v25, $0x1F;
	v28 =	vor.u32 v30, v28;
	v23 =	vor.u32 v31, v23  }
0x1f0: {  	v32 =	vshra.s32 v26, $0x1F;
	v28 =	vadd.s32 $0x1, v28;
	v23 =	vadd.s32 $0x1, v23  }
0x1f1: {  	s18 =	simm.s32 $0x2560;
	v25 =	vor.u32 v61, v25;
	v26 =	vor.u32 v32, v26;
	v23 =	vmul.u32 v23, v28  }
0x1f2: {  	s19 =	simm.s32 $0x54F0;
	v62 =	vld [tilespmem:s18+$0xFFFFFFF0];
	v25 =	vadd.s32 $0x1, v25;
	v26 =	vadd.s32 $0x1, v26;
	v28 =	vadd.s32 v19, v29  }
0x1f3: {  	v22 =	vld [tilespmem:s19+$0xFFFFF030];
	v26 =	vmul.u32 v26, v25;
	v63 =	vshll.u32 v23, $0x2;
	v23 =	vsub.s32 v28, v23  }
0x1f4: {  	v24 =	vsel vm2, $0x74, v5;
	v29 =	vld [tilespmem:s18+$0x0];
	vm2 =	vgt.s32 v63, v23;
	v23 =	vadd.s32 v19, v27  }
0x1f5: {  	v27 =	vshll.u32 v26, $0x2;
	v23 =	vsub.s32 v23, v26  }
0x1f6: {  	vm4 =	vgt.s32 v27, v23;
	v27 =	vld [tilespmem:s19+$0xFFFFF020]  }
0x1f7: {  	v28 =	vsel vm2, $0xFF800000, v62  }
0x1f8: {  	s16 =	simm.s32 $0x75;
	v25 =	vand.u32 $0xFF, v22;
	v26 =	vshrl.u32 v22, $0x18;
	vm2 =	vgt.f32 v28, v21  }
0x1f9: {  	s17 =	simm.s32 $0x77;
	s20 =	simm.s32 $0x79;
	[tilespmem:s18+$0xFFFFFFF0] =	vst v28;
	v23 =	vsel vm2, v28, v21;
	v21 =	vsel vm2, s16, v24;
	v24 =	vsel vm4, $0xFF800000, v29  }
.LBB2_16:
0x1fa: {  	p0 =	slt.u32 s20, $0xC3;
	v28 =	vshrl.u32 v22, $0x8;
	v22 =	vshrl.u32 v22, $0x10;
	[tilespmem:s18+$0x0] =	vst v24;
	vm2 =	vgt.f32 v24, v23;
	s21 =	sadd.s32 $0x1, s16;
	s16 =	smov.u32 s17  }
0x1fb: {  	s17 =	smov.u32 s20;
	v29 =	vand.u32 $0xFF, v27;
	v23 =	vsel vm2, v24, v23;
	v21 =	vsel vm2, s21, v21  }
0x1fc: {  	v24 =	vshrl.u32 v27, $0x8;
	v30 =	vshrl.u32 v27, $0x10;
	v27 =	vshrl.u32 v27, $0x18  }
0x1fd: {  	v25 =	vmax.u32 v25, v16;
	v26 =	vmin.u32 v26, v18;
	v28 =	vand.u32 $0xFF, v28  }
0x1fe: {  	v22 =	vand.u32 $0xFF, v22;
	v29 =	vmax.u32 v29, v16;
	v27 =	vmin.u32 v27, v18  }
0x1ff: {  	v24 =	vand.u32 $0xFF, v24;
	v30 =	vand.u32 $0xFF, v30;
	v22 =	vmin.u32 v22, v20  }
0x200: {  	v28 =	vmax.u32 v28, v17;
	v30 =	vmin.u32 v30, v20;
	v24 =	vmax.u32 v24, v17  }
0x201: {  	v25 =	vsub.s32 v22, v25;
	v29 =	vsub.s32 v30, v29;
	v24 =	vsub.s32 v27, v24;
	v27 =	vld [tilespmem:s19+$0xFFFFFFF0]  }
0x202: {  	v26 =	vsub.s32 v26, v28;
	v30 =	vshra.s32 v29, $0x1F;
	v31 =	vshra.s32 v24, $0x1F;
	v28 =	vld [tilespmem:s19+$0x0];
	s19 =	sadd.s32 $0x20, s19  }
0x203: {  	s18 =	sadd.s32 $0x20, s18;
	v29 =	vor.u32 v30, v29;
	v24 =	vor.u32 v31, v24;
	v30 =	vshra.s32 v25, $0x1F;
	v22 =	vld [tilespmem:s19+$0xFFFFF030]  }
0x204: {  	v32 =	vshra.s32 v26, $0x1F;
	v29 =	vadd.s32 $0x1, v29;
	v24 =	vadd.s32 $0x1, v24;
	v31 =	vld [tilespmem:s18+$0xFFFFFFF0]  }
0x205: {  	v26 =	vor.u32 v32, v26;
	v25 =	vor.u32 v30, v25;
	v24 =	vmul.u32 v24, v29  }
0x206: {  	v26 =	vadd.s32 $0x1, v26;
	v25 =	vadd.s32 $0x1, v25;
	v27 =	vadd.s32 v19, v27;
	v29 =	vld [tilespmem:s18+$0x0]  }
.Ltmp7:
0x207: {  	v26 =	vmul.u32 v26, v25;
	v30 =	vshll.u32 v24, $0x2;
	v24 =	vsub.s32 v27, v24;
	(pc) =	sbr.rel @p0 .LBB2_16-.Ltmp7, $4  }
0x208: {  	v27 =	vld [tilespmem:s19+$0xFFFFF020];
	v25 =	vand.u32 $0xFF, v22;
	vm2 =	vgt.s32 v30, v24;
	v24 =	vadd.s32 v19, v28  }
0x209: {  	v30 =	vshll.u32 v26, $0x2;
	v28 =	vsel vm2, $0xFF800000, v31;
	v24 =	vsub.s32 v24, v26  }
0x20a: {  	v26 =	vshrl.u32 v22, $0x18;
	[tilespmem:s18+$0xFFFFFFF0] =	vst v28;
	vm2 =	vgt.f32 v28, v23;
	vm4 =	vgt.s32 v30, v24  }
0x20b: {  	s20 =	sadd.s32 $0x2, s20;
	v23 =	vsel vm2, v28, v23;
	v21 =	vsel vm2, s16, v21;
	v24 =	vsel vm4, $0xFF800000, v29  }
0x20c: {  	v28 =	vshrl.u32 v22, $0x8;
	v36 =	vshrl.u32 v22, $0x10  }
0x20d: {  	v25 =	vmax.u32 v25, v16;
	v26 =	vmin.u32 v26, v18;
	v29 =	vand.u32 $0xFF, v27  }
0x20e: {  	v30 =	vshrl.u32 v27, $0x8;
	v31 =	vshrl.u32 v27, $0x10;
	v37 =	vshrl.u32 v27, $0x18  }
0x20f: {  	v28 =	vand.u32 $0xFF, v28;
	v22 =	vand.u32 $0xFF, v36;
	v29 =	vmax.u32 v29, v16  }
0x210: {  	v27 =	vmin.u32 v37, v18;
	v30 =	vand.u32 $0xFF, v30;
	v31 =	vand.u32 $0xFF, v31  }
0x211: {  	v22 =	vmin.u32 v22, v20;
	v28 =	vmax.u32 v28, v17;
	v31 =	vmin.u32 v31, v20  }
0x212: {  	v30 =	vmax.u32 v30, v17;
	v22 =	vsub.s32 v22, v25;
	v26 =	vsub.s32 v26, v28  }
0x213: {  	v38 =	vld [tilespmem:s19+$0xFFFFFFF0];
	v29 =	vsub.s32 v31, v29;
	v27 =	vsub.s32 v27, v30;
	v42 =	vshra.s32 v22, $0x1F  }
0x214: {  	v41 =	vld [tilespmem:s19+$0x0];
	v43 =	vshra.s32 v26, $0x1F;
	v39 =	vshra.s32 v29, $0x1F;
	v40 =	vshra.s32 v27, $0x1F  }
0x215: {  	s26 =	sadd.s32 $0x20, s18;
	v22 =	vor.u32 v42, v22;
	v25 =	vor.u32 v39, v29;
	v27 =	vor.u32 v40, v27  }
0x216: {  	v44 =	vld [tilespmem:s26+$0xFFFFFFF0];
	v26 =	vor.u32 v43, v26;
	v25 =	vadd.s32 $0x1, v25;
	v27 =	vadd.s32 $0x1, v27  }
0x217: {  	v45 =	vld [tilespmem:s26+$0x0];
	v22 =	vadd.s32 $0x1, v22;
	v26 =	vadd.s32 $0x1, v26;
	v25 =	vmul.u32 v27, v25  }
0x218: {  	v30 =	vadd.s32 v19, v38;
	v22 =	vmul.u32 v26, v22  }
0x219: {  	v28 =	vadd.s32 v19, v41;
	v46 =	vshll.u32 v25, $0x2;
	v25 =	vsub.s32 v30, v25  }
0x21a: {  	v47 =	vshll.u32 v22, $0x2;
	v22 =	vsub.s32 v28, v22;
	vm2 =	vgt.s32 v46, v25  }
0x21b: {  	[tilespmem:s18+$0x0] =	vst v24;
	v26 =	vsel vm2, $0xFF800000, v44;
	vm2 =	vgt.s32 v47, v22  }
0x21c: {  	[tilespmem:s26+$0xFFFFFFF0] =	vst v26;
	v22 =	vsel vm2, $0xFF800000, v45  }
0x21d: {  	[tilespmem:s26+$0x0] =	vst v22  }
0x21e: {  	v48 =	vld [tilespmem:$0x49F0];
	_ =	sdelay $0x1  }
0x21f: {  	vm4 =	vgt.f32 v24, v23;
	v51 =	vld [tilespmem:$0x4A00]  }
0x220: {  	v23 =	vsel vm4, v24, v23  }
0x221: {  	vm15 =	vgt.f32 v26, v23  }
0x222: {  	v23 =	vsel vm15, v26, v23;
	v49 =	vshrl.u32 v48, $0x10  }
0x223: {  	v50 =	vand.u32 $0xFF, v48;
	v52 =	vshrl.u32 v48, $0x8;
	v25 =	vshrl.u32 v48, $0x18  }
0x224: {  	v53 =	vshrl.u32 v51, $0x10;
	v54 =	vshrl.u32 v51, $0x8;
	v55 =	vand.u32 $0xFF, v51  }
0x225: {  	v29 =	vshrl.u32 v51, $0x18;
	v27 =	vand.u32 $0xFF, v49;
	v28 =	vmax.u32 v50, v16  }
0x226: {  	v24 =	vand.u32 $0xFF, v52;
	v25 =	vmin.u32 v25, v18;
	v27 =	vmin.u32 v27, v20  }
0x227: {  	v16 =	vmax.u32 v55, v16;
	v24 =	vmax.u32 v24, v17;
	v27 =	vsub.s32 v27, v28  }
0x228: {  	v18 =	vmin.u32 v29, v18;
	v24 =	vsub.s32 v25, v24;
	v28 =	vshra.s32 v27, $0x1F  }
0x229: {  	v25 =	vand.u32 $0xFF, v54;
	v27 =	vor.u32 v28, v27;
	v28 =	vand.u32 $0xFF, v53  }
0x22a: {  	v56 =	vld [tilespmem:$0x59C0];
	v17 =	vmax.u32 v25, v17;
	v57 =	vshra.s32 v24, $0x1F;
	v20 =	vmin.u32 v28, v20  }
0x22b: {  	v17 =	vsub.s32 v18, v17;
	v18 =	vld [tilespmem:$0x59D0];
	v27 =	vadd.s32 $0x1, v27;
	v16 =	vsub.s32 v20, v16  }
0x22c: {  	v59 =	vshra.s32 v17, $0x1F;
	v20 =	vor.u32 v57, v24;
	v58 =	vshra.s32 v16, $0x1F  }
0x22d: {  	v60 =	vld [tilespmem:$0x2A50];
	v17 =	vor.u32 v59, v17;
	v20 =	vadd.s32 $0x1, v20;
	v16 =	vor.u32 v58, v16  }
0x22e: {  	v17 =	vadd.s32 $0x1, v17;
	v20 =	vmul.u32 v20, v27;
	v16 =	vadd.s32 $0x1, v16  }
0x22f: {  	v61 =	vld [tilespmem:$0x2A60];
	vm2 =	vgt.f32 v22, v23;
	v62 =	vadd.s32 v19, v56;
	v16 =	vmul.u32 v17, v16  }
0x230: {  	v18 =	vadd.s32 v19, v18;
	v17 =	vshll.u32 v20, $0x2;
	v19 =	vsub.s32 v62, v20  }
0x231: {  	vm12 =	vgt.s32 v17, v19;
	v20 =	vshll.u32 v16, $0x2;
	v16 =	vsub.s32 v18, v16  }
0x232: {  	v17 =	vsel vm12, $0xFF800000, v60;
	vm12 =	vcmask $0x3F38;
	vm5 =	vle.s32 v20, v16  }
0x233: {  	v16 =	vsel vm2, v22, v23;
	vm5 =	vmor vm5, vm12  }
0x234: {  	vm12 =	vgt.f32 v17, v16;
	v18 =	vnsel vm5, $0xFF800000, v61  }
0x235: {  	v16 =	vsel vm12, v17, v16;
	v19 =	vnsel vm3, $0xFF800000, v18  }
0x236: {  	vm5 =	vgt.f32 v19, v16  }
0x237: {  	v16 =	vsel vm5, v19, v16  }
0x238: {  	(xrf0) =	vmax.scan.msk.f32 $0xffff, v16;
	_ =	sdelay $0x1  }
0x239: {  	s16 =	sadd.s32 $0x1, s16  }
0x23a: {  	v19 =	vsel vm4, s16, v21  }
0x23b: {  	s28 =	sadd.s32 $0x1, s17;
	v19 =	vsel vm15, s17, v19  }
0x23c: {  	v19 =	vsel vm2, s28, v19  }
0x23d: {  	v19 =	vshll.u32 v19, $0x4;
	v20, _, _ =	vpop (xrf0)  }
0x23e: {  	v19 =	vxor.u32 v3, v19;
	v63 =	vbroadcast v20, $0xF  }
0x23f: {  	v14 =	vsel vm12, v14, v19  }
0x240: {  	v14 =	vsel vm5, v15, v14;
	vm2 =	veq.f32 v16, v63  }
0x241: {  	v14 =	vnsel vm2, $0xC0000000, v14  }
0x242: {  	(xrf0) =	vmin.scan.msk.u32 $0xffff, v14;
	_ =	sdelay $0x5  }
0x243: {  	(v2sf) =	vpush v20, $0xF;
	v14, _, _ =	vpop (xrf0)  }
0x244: {  	(v2sf) =	vpush v14, $0xF;
	_ =	sdelay $0xd  }
0x245: {  	s29 =	spop (v2sf)  }
0x246: {  	p0 =	sgt.f32 s29, $-Inf;
	s30 =	spop (v2sf)  }
0x247: {  	[tilespmem:$0x2A50] =	vst v17;
	s16 =	sxor.u32 $0x80000000, s30  }
0x248: {  	s31 =	simm.s32 $0x2A80;
	[tilespmem:$0x2A60] =	vst v18;
	v17 =	vsel vm3, $0xFF800000, v18;
	s15 =	smov.u32 @p0 s16  }
0x249: {  	vm3 =	vgt.f32 v17, $-Inf;
	v16 =	vld [tilespmem:s31+$0xFFFFFFF0];
	vm2 =	vlt.f32 v17, $-Inf;
	v14 =	vmov s15  }
0x24a: {  	vm2 =	vmor vm3, vm2  }
0x24b: {  	v19 =	vnsel vm2, $0xFF800000, v17;
	v17 =	vld [tilespmem:s31+$0x0];
	_ =	sdelay $0x2  }
0x24c: {  	s17 =	simm.s32 $0x2AA0;
	v18 =	vsel vm2, $0xC6, v5;
	vm3 =	vgt.f32 v16, v19;
	s16 =	simm.s32 $0xC9;
	s15 =	simm.s32 $0xC7;
	v15 =	vld.idx.msk [tilespmem:v14+s12+$0x0], $0xffff  }
.LBB2_18:
0x24d: {  	p0 =	slt.u32 s16, $0xFB;
	v19 =	vsel vm3, v16, v19;
	v16 =	vld [tilespmem:s17+$0xFFFFFFF0];
	v18 =	vsel vm3, s15, v18;
	s18 =	smov.u32 s16;
	s16 =	sadd.s32 $0x2, s16  }
.Ltmp8:
0x24e: {  	s19 =	sadd.s32 $0x1, s15;
	vm2 =	vgt.f32 v17, v19;
	s15 =	smov.u32 s18;
	(pc) =	sbr.rel @p0 .LBB2_18-.Ltmp8, $2  }
0x24f: {  	v19 =	vsel vm2, v17, v19;
	v17 =	vld [tilespmem:s17+$0x0];
	v18 =	vsel vm2, s19, v18;
	_ =	sdelay $0x2  }
0x250: {  	s17 =	sadd.s32 $0x20, s17;
	vm3 =	vgt.f32 v16, v19  }
0x251: {  	v16 =	vsel vm3, v16, v19  }
0x252: {  	vm2 =	vgt.f32 v17, v16  }
0x253: {  	v16 =	vsel vm2, v17, v16  }
0x254: {  	(xrf0) =	vmax.scan.msk.f32 $0xffff, v16;
	_ =	sdelay $0x5  }
0x255: {  	v61 =	vsel vm3, s15, v18;
	s30 =	sadd.s32 $0x1, s15;
	v62, _, _ =	vpop (xrf0)  }
0x256: {  	v17 =	vsel vm2, s30, v61;
	v18 =	vbroadcast v62, $0xF  }
0x257: {  	v17 =	vshll.u32 v17, $0x4  }
0x258: {  	v63 =	vxor.u32 v3, v17;
	vm2 =	veq.f32 v16, v18  }
0x259: {  	v16 =	vnsel vm2, $0xC0000000, v63  }
0x25a: {  	(xrf0) =	vmin.scan.msk.u32 $0xffff, v16;
	_ =	sdelay $0x5  }
0x25b: {  	v16, _, _ =	vpop (xrf0)  }
0x25c: {  	(v2sf) =	vpush v16, $0xF;
	_ =	sdelay $0xd  }
0x25d: {  	vm2 =	vcmask $0x300  }
0x25e: {  	vm3 =	vcmask $0x1B18;
	v6 =	vnsel vm2, $0x0, v6;
	vm2 =	vcmask $0x330;
	s31 =	spop (v2sf)  }
0x25f: {  	v6 =	vsel vm2, v6, v7;
	vm2 =	vmor vm2, vm3;
	s15 =	sxor.u32 $0x80000000, s31  }
0x260: {  	v6 =	vsel vm2, v6, v8;
	vm2 =	vmor vm7, vm3;
	v7 =	vmov s15  }
0x261: {  	v6 =	vsel vm2, v6, v9;
	vm2 =	vmor vm7, vm8  }
0x262: {  	v6 =	vsel vm2, v6, v10;
	vm2 =	vmor vm9, vm8  }
0x263: {  	v6 =	vsel vm2, v6, v11;
	vm2 =	vmor vm9, vm10  }
0x264: {  	v6 =	vsel vm2, v6, v12;
	vm2 =	vmor vm11, vm10  }
0x265: {  	v6 =	vsel vm2, v6, v13;
	vm2 =	vmor vm11, vm13;
	v7 =	vld.idx.msk [tilespmem:v7+s12+$0x0], $0xffff  }
0x266: {  	v6 =	vsel vm2, v6, v14;
	vm2 =	vcmask $0x1330  }
0x267: {  	vm2 =	vmor vm2, vm13  }
0x268: {  	v6 =	vsel vm2, v6, v15  }
0x269: {  	vm2 =	vcmask $0x2B30;
	v6 =	vnsel vm14, s15, v6  }
0x26a: {  	v6 =	vsel vm2, v6, v7  }
0x26b: {  	[tilespmem:$0x6D10] =	vst v6  }
0x26c: {  	[hbm4b:s5+s3] =	stream.linear.scatter [tilespmem:s12], [sflag:$0x2], $0xFC9, $0x38;
	[tilespmem:$0x6D20] =	vst v63  }
0x26d: {  	s14 =	sadd.s32 $0x1, s14;
	_ =	swait.ge [sflag:s9], $0xFC9  }
0x26e: {  	p0 =	sne.s32 s14, s7;
	[sflag:s9] =	ssyncset.done $0x0  }
.Ltmp9:
0x26f: {  	[sflag:s9] =	ssyncadd.s32 $0xFFFFF037;
	(pc) =	sbr.rel @p0 .LBB2_1-.Ltmp9, $4  }
0x270: {  	[hbm4b:s6+s3] =	stream.linear.scatter [tilespmem:s13], [sflag:$0x2], $0x10, $0x38;
	[tilespmem:$0x6D20] =	vst v63  }
0x271: {  	_ =	swait.ge [sflag:s9], $0x10  }
0x272: {  	[sflag:s9] =	ssyncset.done $0x0  }
0x273: {  	vm2 =	vmmov vm6;
	[sflag:s9] =	ssyncadd.s32 $0xFFFFFFF0  }
0x274: {  	_ =	sfence.sel $0x180000  }
0x275: {  	[bflag:$0x0] =	sbarrier.arrive $0xFFFF  }
0x276: {  	p0 =	sne.s32 s1, $0x0;
	_ =	strace $0x90000047  }
0x277: {  	s0 =	sadd.s32 @!p0 $0x100000, s2;
	[bflag:$0x2] =	sbarrier.arrive $0xFFFF  }
0x278: {  	[sflag:s0] =	ssyncadd.tile.s32 @!p0 $0x1;
	_ =	shalt  }
.Lfunc_end2:
_tile_overlayer_lowered:
.L_overlay_start_2:
0x279: {  	(tag) =	ssettag $0x2  }
0x27a: {  	s0 =	rddreg [dreg:$0x0];
	s2 =	stileid.u32  }
0x27b: {  	s1 =	rddreg [dreg:$0x1];
	p0 =	sne.s32 s2, $0x0  }
0x27c: {  	s3 =	rddreg [dreg:$0x2];
	[bflag:$0x3] =	sbarrier.arrive $0xFFFF;
	s2 =	simm.s32 @!p0 $0x1C02  }
0x27d: {  	[timem:s3], [sflag:s2] =	dma.local @!p0 [hbm:s0], s1  }
0x27e: {  	s0 =	simm.s32 @!p0 $0x2  }
0x27f: {  	_ =	swait.ge @!p0 [sflag:s0], s1  }
0x280: {  	s1 =	ssub.s32 @!p0 $0x0, s1;
	[sflag:s0] =	ssyncset.done @!p0 $0x0  }
0x281: {  	[sflag:s0] =	ssyncadd.s32 @!p0 s1  }
0x282: {  	[bflag:$0x3] =	sbarrier.arrive $0xFFFF  }
0x283: {  	_ =	shalt  }

</sc_bundles>
